<compile_context>
chip_gen: v7x
topology: tpu7x:2x2x1
jax: 0.10.2.dev20260603
libtpu: 0.0.44.dev20260713+nightly
codegen_flags: <defaults>
</compile_context>

<pallas_src>
import functools

import jax
import jax.numpy as jnp
from jax import lax
from jax.experimental import pallas as pl
from jax.experimental.pallas import tpu as pltpu
from jax.experimental.pallas import tpu_sc as plsc

NBUF = 4
KOFF = 2


def _make_sc_pool(B, L, D, nc, ns, interpret=False):
    NW = nc * ns
    assert B % NW == 0
    BPW = B // NW
    assert (BPW * L) % 128 == 0
    NCH = BPW * L // 128
    NGRP = (NCH + KOFF + NBUF - 1) // NBUF
    mesh = plsc.VectorSubcoreMesh(
        core_axis_name="c", subcore_axis_name="s",
        num_cores=nc, num_subcores=ns)

    @functools.partial(
        pl.kernel,
        out_type=jax.ShapeDtypeStruct((2 * B, D), jnp.float32),
        mesh=mesh,
        scratch_types=[
            pltpu.VMEM((BPW * L,), jnp.int32),
            pltpu.VMEM((NCH, 128), jnp.int32),
            pltpu.VMEM_SHARED((ns * BPW, D), jnp.float32),
        ] + [pltpu.VMEM((128, D), jnp.float32) for _ in range(NBUF)]
          + [pltpu.SemaphoreType.DMA for _ in range(2 * NBUF)],
        compiler_params=pltpu.CompilerParams(use_tc_tiling_on_sc=False),
        interpret=interpret,
    )
    def sc_pool(t1_hbm, t2_hbm, emb_hbm, didx_hbm, out_hbm,
                idx_v, didx_v, acc_sh, *bufs_and_sems):
        bufs = bufs_and_sems[:NBUF]
        g_sem = bufs_and_sems[NBUF:2 * NBUF]
        s_sem = bufs_and_sems[2 * NBUF:]
        s_idx = lax.axis_index("s")
        wid = s_idx * nc + lax.axis_index("c")
        base = wid * BPW
        lbase = s_idx * BPW

        pltpu.sync_copy(didx_hbm, didx_v)

        def add_base(j, carry):
            for m in range(8):
                didx_v[j, pl.ds(16 * m, 16)] = (
                    didx_v[j, pl.ds(16 * m, 16)]
                    + jnp.full((16,), 1, jnp.int32) * lbase)
            return carry

        lax.fori_loop(0, NCH, add_base, 0)

        for t, t_hbm in ((0, t1_hbm), (1, t2_hbm)):
            pltpu.sync_copy(t_hbm.at[pl.ds(base * L, BPW * L)], idx_v)

            def zero_body(i, carry):
                for m in range(D // 16):
                    bufs[0][i, pl.ds(16 * m, 16)] = jnp.zeros((16,),
                                                              jnp.float32)
                return carry

            lax.fori_loop(0, BPW, zero_body, 0)
            pltpu.sync_copy(
                bufs[0], acc_sh.at[pl.ds(pl.multiple_of(lbase, 8), BPW)])

            def gather_src(j):
                off = pl.multiple_of(j * 128, 8)
                return emb_hbm.at[idx_v.at[pl.ds(off, 128)]]

            def grp(g, carry):
                for b in range(NBUF):
                    j = g * NBUF + b
                    m = j - KOFF
                    sb = (b + NBUF - KOFF) % NBUF

                    @pl.when(jnp.logical_and(m >= 0, m < NCH))
                    def _scat(m=m, sb=sb):
                        pltpu.make_async_copy(
                            gather_src(m), bufs[sb], g_sem[sb]).wait()
                        pltpu.async_copy(
                            bufs[sb], acc_sh.at[didx_v.at[m]], s_sem[sb],
                            add=True)

                    @pl.when(j < NCH)
                    def _gath(j=j, b=b):
                        @pl.when(j >= NBUF)
                        def _drain(j=j, b=b):
                            pltpu.make_async_copy(
                                bufs[b], acc_sh.at[didx_v.at[j - NBUF]],
                                s_sem[b]).wait()

                        pltpu.async_copy(gather_src(j), bufs[b], g_sem[b])
                return carry

            lax.fori_loop(0, NGRP, grp, 0)
            for b in range(NBUF):
                m = NCH - NBUF + b
                pltpu.make_async_copy(
                    bufs[m % NBUF], acc_sh.at[didx_v.at[m]],
                    s_sem[m % NBUF]).wait()
            pltpu.sync_copy(
                acc_sh.at[pl.ds(pl.multiple_of(lbase, 8), BPW)],
                out_hbm.at[pl.ds(pl.multiple_of(t * B + base, 8), BPW)])

    return sc_pool


def _make_mlp(B, L, D, H, C, BB=512, interpret=False):
    def body(s1_ref, s2_ref, t1_ref, t2_ref, len1_ref, len2_ref, row1_ref,
             W1_ref, b1_ref, W2_ref, b2_ref, logit_ref, prob_ref):
        r1 = row1_ref[...]
        cnt1 = jnp.sum((t1_ref[...] == 1).astype(jnp.float32), axis=1,
                       keepdims=True)
        cnt2 = jnp.sum((t2_ref[...] == 1).astype(jnp.float32), axis=1,
                       keepdims=True)
        e1 = (s1_ref[...] - cnt1 * r1) / len1_ref[...]
        e2 = (s2_ref[...] - cnt2 * r1) / len2_ref[...]
        x = jnp.concatenate([e1, e2, jnp.abs(e1 - e2), e1 * e2], axis=1)
        h = lax.dot_general(x, W1_ref[...], (((1,), (1,)), ((), ())),
                            precision=lax.Precision.HIGHEST,
                            preferred_element_type=jnp.float32)
        h = jnp.maximum(h + b1_ref[...], 0.0)
        logit = lax.dot_general(h, W2_ref[...], (((1,), (1,)), ((), ())),
                                precision=lax.Precision.HIGHEST,
                                preferred_element_type=jnp.float32)
        logit = logit + b2_ref[...]
        m = jnp.max(logit, axis=1, keepdims=True)
        ex = jnp.exp(logit - m)
        prob = ex / jnp.sum(ex, axis=1, keepdims=True)
        logit_ref[...] = logit
        prob_ref[...] = prob

    grid = (B // BB,)
    blk = lambda i: (i, 0)
    fixed = lambda i: (0, 0)
    return pl.pallas_call(
        body,
        grid=grid,
        in_specs=[
            pl.BlockSpec((BB, D), blk),
            pl.BlockSpec((BB, D), blk),
            pl.BlockSpec((BB, L), blk),
            pl.BlockSpec((BB, L), blk),
            pl.BlockSpec((BB, 1), blk),
            pl.BlockSpec((BB, 1), blk),
            pl.BlockSpec((1, D), fixed),
            pl.BlockSpec((H, 4 * D), fixed),
            pl.BlockSpec((1, H), fixed),
            pl.BlockSpec((C, H), fixed),
            pl.BlockSpec((1, C), fixed),
        ],
        out_specs=[
            pl.BlockSpec((BB, C), blk),
            pl.BlockSpec((BB, C), blk),
        ],
        out_shape=[
            jax.ShapeDtypeStruct((B, C), jnp.float32),
            jax.ShapeDtypeStruct((B, C), jnp.float32),
        ],
        interpret=interpret,
    )


def kernel(text1, len1, text2, len2, emb, W1, b1, W2, b2):
    B, L = text1.shape
    D = emb.shape[1]
    H = W1.shape[0]
    C = W2.shape[0]
    t1 = jnp.asarray(text1, jnp.int32)
    t2 = jnp.asarray(text2, jnp.int32)
    info = plsc.get_sparse_core_info()
    nc, ns = info.num_cores, info.num_subcores
    BPW = B // (nc * ns)
    didx = (jnp.arange(BPW * L, dtype=jnp.int32) // L).reshape(-1, 128)
    sc_pool = _make_sc_pool(B, L, D, nc, ns)
    sums = sc_pool(t1.reshape(-1), t2.reshape(-1), emb, didx)
    s1 = lax.slice(sums, (0, 0), (B, D))
    s2 = lax.slice(sums, (B, 0), (2 * B, D))
    row1 = lax.slice(emb, (1, 0), (2, D))
    mlp = _make_mlp(B, L, D, H, C)
    logit, prob = mlp(s1, s2, t1, t2, len1.reshape(B, 1), len2.reshape(B, 1),
                      row1, W1, b1.reshape(1, H), W2, b2.reshape(1, C))
    return (logit, prob)

# --- scband reference (transcript-rebuilt; emitter-appended) ---
"""Pipeline reference for scband-linear-model-88235808129722 (READ-ONLY COPY).

The authoritative reference and input builder live on the scoring server;
editing this copy changes nothing except your own understanding.
"""

import jax, jax.numpy as jnp
import numpy as np

B, L, V, D, H, C = 4096, 200, 1000000, 64, 256, 2

def setup_inputs(seed: int = 0):
    key = jax.random.key(seed)
    ks = jax.random.split(key, 8)
    text1 = jax.random.randint(ks[0], (B, L), 0, V, dtype=jnp.int64) if jax.config.jax_enable_x64 else jax.random.randint(ks[0], (B, L), 0, V)
    text2 = jax.random.randint(ks[1], (B, L), 0, V)
    len1 = jnp.ones((B,), dtype=jnp.float32)
    len2 = jnp.ones((B,), dtype=jnp.float32)
    emb = jax.random.normal(ks[2], (V, D), dtype=jnp.float32) * 0.02
    W1 = jax.random.normal(ks[3], (H, 4 * D), dtype=jnp.float32) * 0.05
    b1 = jnp.zeros((H,), dtype=jnp.float32)
    W2 = jax.random.normal(ks[4], (C, H), dtype=jnp.float32) * 0.05
    b2 = jnp.zeros((C,), dtype=jnp.float32)
    return {"text1": text1, "len1": len1, "text2": text2, "len2": len2,
            "emb": emb, "W1": W1, "b1": b1, "W2": W2, "b2": b2}

def reference(text1, len1, text2, len2, emb, W1, b1, W2, b2):
    # padding_idx=1: row 1 of the embedding table is zero
    table = emb.at[1].set(0.0)
    batch = text1.shape[0]
    embedded1 = jnp.sum(jnp.take(table, text1, axis=0), axis=1) / len1.reshape(batch, 1)
    embedded2 = jnp.sum(jnp.take(table, text2, axis=0), axis=1) / len2.reshape(batch, 1)
    x = jnp.concatenate([embedded1, embedded2, jnp.abs(embedded1 - embedded2), embedded1 * embedded2], axis=1)
    # dropout=0.0 -> identity
    h = jax.nn.relu(x @ W1.T + b1)
    logit = h @ W2.T + b2
    prob = jax.nn.softmax(logit, axis=1)
    return (logit, prob)

if __name__ == "__main__":
    import jax
    _d = setup_inputs()
    print(jax.jit(kernel)(*tuple(_d.values())))

</pallas_src>

<mosaic_0001>
#map = affine_map<(d0, d1) -> (0)>
#map1 = affine_map<(d0, d1) -> (0, 0)>
module attributes {stable_mosaic.version = 14 : i64} {
  func.func @sc_pool(%arg0: i32, %arg1: i32, %arg2: memref<819200xi32, #tpu.memory_space<hbm>>, %arg3: memref<819200xi32, #tpu.memory_space<hbm>>, %arg4: memref<1000000x64xf32, #tpu.memory_space<hbm>>, %arg5: memref<200x128xi32, #tpu.memory_space<hbm>>, %arg6: memref<8192x64xf32, #tpu.memory_space<hbm>>, %arg7: memref<25600xi32, #tpu.memory_space<vmem>>, %arg8: memref<200x128xi32, #tpu.memory_space<vmem>>, %arg9: memref<2048x64xf32, #tpu.memory_space<vmem_shared>>, %arg10: memref<128x64xf32, #tpu.memory_space<vmem>>, %arg11: memref<128x64xf32, #tpu.memory_space<vmem>>, %arg12: memref<128x64xf32, #tpu.memory_space<vmem>>, %arg13: memref<128x64xf32, #tpu.memory_space<vmem>>, %arg14: memref<!tpu.dma_semaphore, #tpu.memory_space<semaphore_mem>>, %arg15: memref<!tpu.dma_semaphore, #tpu.memory_space<semaphore_mem>>, %arg16: memref<!tpu.dma_semaphore, #tpu.memory_space<semaphore_mem>>, %arg17: memref<!tpu.dma_semaphore, #tpu.memory_space<semaphore_mem>>, %arg18: memref<!tpu.dma_semaphore, #tpu.memory_space<semaphore_mem>>, %arg19: memref<!tpu.dma_semaphore, #tpu.memory_space<semaphore_mem>>, %arg20: memref<!tpu.dma_semaphore, #tpu.memory_space<semaphore_mem>>, %arg21: memref<!tpu.dma_semaphore, #tpu.memory_space<semaphore_mem>>) attributes {dimension_semantics = [#tpu.dimension_semantics<core_parallel>, #tpu.dimension_semantics<subcore_parallel>], iteration_bounds = array<i64: 2, 16>, scalar_prefetch = 0 : i64, scratch_operands = 15 : i64, tpu.core_type = #tpu.core_type<sc_vector_subcore>, window_params = [{transform_indices = #map}, {transform_indices = #map}, {transform_indices = #map1}, {transform_indices = #map1}, {transform_indices = #map1}]} {
    %mul3A = arith.constant 2 : i32
    %mul3A_0 = arith.muli %arg1, %mul3A : i32
    %add3A = arith.addi %mul3A_0, %arg0 : i32
    %mul3A_1 = arith.constant 128 : i32
    %mul3A_2 = arith.muli %add3A, %mul3A_1 : i32
    %mul3A_3 = arith.constant 128 : i32
    %mul3A_4 = arith.muli %arg1, %mul3A_3 : i32
    "tpu.region"() ({
      %run_scoped3A = tpu.sem_alloc : memref<!tpu.dma_semaphore, #tpu.memory_space<semaphore_mem>>
      tpu.enqueue_dma source(%arg5 : memref<200x128xi32, #tpu.memory_space<hbm>>) target(%arg8 : memref<200x128xi32, #tpu.memory_space<vmem>>) target_semaphore(%run_scoped3A : memref<!tpu.dma_semaphore, #tpu.memory_space<semaphore_mem>>)
      tpu.wait_dma2 semaphore(%run_scoped3A : memref<!tpu.dma_semaphore, #tpu.memory_space<semaphore_mem>>) src(%arg5 : memref<200x128xi32, #tpu.memory_space<hbm>>) dst(%arg8 : memref<200x128xi32, #tpu.memory_space<vmem>>)
      tpu.yield
    }) : () -> ()
    %scan3A = arith.constant 0 : i32
    %scan3A_5 = arith.constant 0 : i32
    %scan3A_6 = arith.constant 200 : i32
    %scan3A_7 = arith.addi %scan3A_5, %scan3A_6 : i32
    %scan3A_8 = arith.constant 1 : i32
    scf.for %scan3A_102 = %scan3A_5 to %scan3A_7 step %scan3A_8  : i32 {
      %get3A = arith.index_cast %scan3A_102 : i32 to index
      %get3A_103 = arith.constant 0 : index
      %get3A_104 = tpu.vector_load %arg8[%get3A, %get3A_103] {strides = array<i32>} : memref<200x128xi32, #tpu.memory_space<vmem>>, vector<1x16xi32>,
      %get3A_105 = vector.shape_cast %get3A_104 : vector<1x16xi32> to vector<16xi32>
      %broadcast_in_dim3A = arith.constant 1 : i32
      %broadcast_in_dim3A_106 = vector.broadcast %broadcast_in_dim3A : i32 to vector<16xi32>
      %mul3A_107 = vector.broadcast %mul3A_4 : i32 to vector<16xi32>
      %mul3A_108 = arith.muli %broadcast_in_dim3A_106, %mul3A_107 : vector<16xi32>
      %add3A_109 = arith.addi %get3A_105, %mul3A_108 : vector<16xi32>
      %swap3A = arith.index_cast %scan3A_102 : i32 to index
      %swap3A_110 = arith.constant 0 : index
      %swap3A_111 = tpu.vector_load %arg8[%swap3A, %swap3A_110] {strides = array<i32>} : memref<200x128xi32, #tpu.memory_space<vmem>>, vector<1x16xi32>,
      %swap3A_112 = vector.shape_cast %swap3A_111 : vector<1x16xi32> to vector<16xi32>
      %swap3A_113 = vector.shape_cast %add3A_109 : vector<16xi32> to vector<1x16xi32>
      tpu.vector_store %arg8[%swap3A, %swap3A_110], %swap3A_113 {strides = array<i32>} : memref<200x128xi32, #tpu.memory_space<vmem>>, vector<1x16xi32>,
      %get3A_114 = arith.index_cast %scan3A_102 : i32 to index
      %get3A_115 = arith.constant 16 : index
      %get3A_116 = tpu.vector_load %arg8[%get3A_114, %get3A_115] {strides = array<i32>} : memref<200x128xi32, #tpu.memory_space<vmem>>, vector<1x16xi32>,
      %get3A_117 = vector.shape_cast %get3A_116 : vector<1x16xi32> to vector<16xi32>
      %broadcast_in_dim3A_118 = arith.constant 1 : i32
      %broadcast_in_dim3A_119 = vector.broadcast %broadcast_in_dim3A_118 : i32 to vector<16xi32>
      %mul3A_120 = vector.broadcast %mul3A_4 : i32 to vector<16xi32>
      %mul3A_121 = arith.muli %broadcast_in_dim3A_119, %mul3A_120 : vector<16xi32>
      %add3A_122 = arith.addi %get3A_117, %mul3A_121 : vector<16xi32>
      %swap3A_123 = arith.index_cast %scan3A_102 : i32 to index
      %swap3A_124 = arith.constant 16 : index
      %swap3A_125 = tpu.vector_load %arg8[%swap3A_123, %swap3A_124] {strides = array<i32>} : memref<200x128xi32, #tpu.memory_space<vmem>>, vector<1x16xi32>,
      %swap3A_126 = vector.shape_cast %swap3A_125 : vector<1x16xi32> to vector<16xi32>
      %swap3A_127 = vector.shape_cast %add3A_122 : vector<16xi32> to vector<1x16xi32>
      tpu.vector_store %arg8[%swap3A_123, %swap3A_124], %swap3A_127 {strides = array<i32>} : memref<200x128xi32, #tpu.memory_space<vmem>>, vector<1x16xi32>,
      %get3A_128 = arith.index_cast %scan3A_102 : i32 to index
      %get3A_129 = arith.constant 32 : index
      %get3A_130 = tpu.vector_load %arg8[%get3A_128, %get3A_129] {strides = array<i32>} : memref<200x128xi32, #tpu.memory_space<vmem>>, vector<1x16xi32>,
      %get3A_131 = vector.shape_cast %get3A_130 : vector<1x16xi32> to vector<16xi32>
      %broadcast_in_dim3A_132 = arith.constant 1 : i32
      %broadcast_in_dim3A_133 = vector.broadcast %broadcast_in_dim3A_132 : i32 to vector<16xi32>
      %mul3A_134 = vector.broadcast %mul3A_4 : i32 to vector<16xi32>
      %mul3A_135 = arith.muli %broadcast_in_dim3A_133, %mul3A_134 : vector<16xi32>
      %add3A_136 = arith.addi %get3A_131, %mul3A_135 : vector<16xi32>
      %swap3A_137 = arith.index_cast %scan3A_102 : i32 to index
      %swap3A_138 = arith.constant 32 : index
      %swap3A_139 = tpu.vector_load %arg8[%swap3A_137, %swap3A_138] {strides = array<i32>} : memref<200x128xi32, #tpu.memory_space<vmem>>, vector<1x16xi32>,
      %swap3A_140 = vector.shape_cast %swap3A_139 : vector<1x16xi32> to vector<16xi32>
      %swap3A_141 = vector.shape_cast %add3A_136 : vector<16xi32> to vector<1x16xi32>
      tpu.vector_store %arg8[%swap3A_137, %swap3A_138], %swap3A_141 {strides = array<i32>} : memref<200x128xi32, #tpu.memory_space<vmem>>, vector<1x16xi32>,
      %get3A_142 = arith.index_cast %scan3A_102 : i32 to index
      %get3A_143 = arith.constant 48 : index
      %get3A_144 = tpu.vector_load %arg8[%get3A_142, %get3A_143] {strides = array<i32>} : memref<200x128xi32, #tpu.memory_space<vmem>>, vector<1x16xi32>,
      %get3A_145 = vector.shape_cast %get3A_144 : vector<1x16xi32> to vector<16xi32>
      %broadcast_in_dim3A_146 = arith.constant 1 : i32
      %broadcast_in_dim3A_147 = vector.broadcast %broadcast_in_dim3A_146 : i32 to vector<16xi32>
      %mul3A_148 = vector.broadcast %mul3A_4 : i32 to vector<16xi32>
      %mul3A_149 = arith.muli %broadcast_in_dim3A_147, %mul3A_148 : vector<16xi32>
      %add3A_150 = arith.addi %get3A_145, %mul3A_149 : vector<16xi32>
      %swap3A_151 = arith.index_cast %scan3A_102 : i32 to index
      %swap3A_152 = arith.constant 48 : index
      %swap3A_153 = tpu.vector_load %arg8[%swap3A_151, %swap3A_152] {strides = array<i32>} : memref<200x128xi32, #tpu.memory_space<vmem>>, vector<1x16xi32>,
      %swap3A_154 = vector.shape_cast %swap3A_153 : vector<1x16xi32> to vector<16xi32>
      %swap3A_155 = vector.shape_cast %add3A_150 : vector<16xi32> to vector<1x16xi32>
      tpu.vector_store %arg8[%swap3A_151, %swap3A_152], %swap3A_155 {strides = array<i32>} : memref<200x128xi32, #tpu.memory_space<vmem>>, vector<1x16xi32>,
      %get3A_156 = arith.index_cast %scan3A_102 : i32 to index
      %get3A_157 = arith.constant 64 : index
      %get3A_158 = tpu.vector_load %arg8[%get3A_156, %get3A_157] {strides = array<i32>} : memref<200x128xi32, #tpu.memory_space<vmem>>, vector<1x16xi32>,
      %get3A_159 = vector.shape_cast %get3A_158 : vector<1x16xi32> to vector<16xi32>
      %broadcast_in_dim3A_160 = arith.constant 1 : i32
      %broadcast_in_dim3A_161 = vector.broadcast %broadcast_in_dim3A_160 : i32 to vector<16xi32>
      %mul3A_162 = vector.broadcast %mul3A_4 : i32 to vector<16xi32>
      %mul3A_163 = arith.muli %broadcast_in_dim3A_161, %mul3A_162 : vector<16xi32>
      %add3A_164 = arith.addi %get3A_159, %mul3A_163 : vector<16xi32>
      %swap3A_165 = arith.index_cast %scan3A_102 : i32 to index
      %swap3A_166 = arith.constant 64 : index
      %swap3A_167 = tpu.vector_load %arg8[%swap3A_165, %swap3A_166] {strides = array<i32>} : memref<200x128xi32, #tpu.memory_space<vmem>>, vector<1x16xi32>,
      %swap3A_168 = vector.shape_cast %swap3A_167 : vector<1x16xi32> to vector<16xi32>
      %swap3A_169 = vector.shape_cast %add3A_164 : vector<16xi32> to vector<1x16xi32>
      tpu.vector_store %arg8[%swap3A_165, %swap3A_166], %swap3A_169 {strides = array<i32>} : memref<200x128xi32, #tpu.memory_space<vmem>>, vector<1x16xi32>,
      %get3A_170 = arith.index_cast %scan3A_102 : i32 to index
      %get3A_171 = arith.constant 80 : index
      %get3A_172 = tpu.vector_load %arg8[%get3A_170, %get3A_171] {strides = array<i32>} : memref<200x128xi32, #tpu.memory_space<vmem>>, vector<1x16xi32>,
      %get3A_173 = vector.shape_cast %get3A_172 : vector<1x16xi32> to vector<16xi32>
      %broadcast_in_dim3A_174 = arith.constant 1 : i32
      %broadcast_in_dim3A_175 = vector.broadcast %broadcast_in_dim3A_174 : i32 to vector<16xi32>
      %mul3A_176 = vector.broadcast %mul3A_4 : i32 to vector<16xi32>
      %mul3A_177 = arith.muli %broadcast_in_dim3A_175, %mul3A_176 : vector<16xi32>
      %add3A_178 = arith.addi %get3A_173, %mul3A_177 : vector<16xi32>
      %swap3A_179 = arith.index_cast %scan3A_102 : i32 to index
      %swap3A_180 = arith.constant 80 : index
      %swap3A_181 = tpu.vector_load %arg8[%swap3A_179, %swap3A_180] {strides = array<i32>} : memref<200x128xi32, #tpu.memory_space<vmem>>, vector<1x16xi32>,
      %swap3A_182 = vector.shape_cast %swap3A_181 : vector<1x16xi32> to vector<16xi32>
      %swap3A_183 = vector.shape_cast %add3A_178 : vector<16xi32> to vector<1x16xi32>
      tpu.vector_store %arg8[%swap3A_179, %swap3A_180], %swap3A_183 {strides = array<i32>} : memref<200x128xi32, #tpu.memory_space<vmem>>, vector<1x16xi32>,
      %get3A_184 = arith.index_cast %scan3A_102 : i32 to index
      %get3A_185 = arith.constant 96 : index
      %get3A_186 = tpu.vector_load %arg8[%get3A_184, %get3A_185] {strides = array<i32>} : memref<200x128xi32, #tpu.memory_space<vmem>>, vector<1x16xi32>,
      %get3A_187 = vector.shape_cast %get3A_186 : vector<1x16xi32> to vector<16xi32>
      %broadcast_in_dim3A_188 = arith.constant 1 : i32
      %broadcast_in_dim3A_189 = vector.broadcast %broadcast_in_dim3A_188 : i32 to vector<16xi32>
      %mul3A_190 = vector.broadcast %mul3A_4 : i32 to vector<16xi32>
      %mul3A_191 = arith.muli %broadcast_in_dim3A_189, %mul3A_190 : vector<16xi32>
      %add3A_192 = arith.addi %get3A_187, %mul3A_191 : vector<16xi32>
      %swap3A_193 = arith.index_cast %scan3A_102 : i32 to index
      %swap3A_194 = arith.constant 96 : index
      %swap3A_195 = tpu.vector_load %arg8[%swap3A_193, %swap3A_194] {strides = array<i32>} : memref<200x128xi32, #tpu.memory_space<vmem>>, vector<1x16xi32>,
      %swap3A_196 = vector.shape_cast %swap3A_195 : vector<1x16xi32> to vector<16xi32>
      %swap3A_197 = vector.shape_cast %add3A_192 : vector<16xi32> to vector<1x16xi32>
      tpu.vector_store %arg8[%swap3A_193, %swap3A_194], %swap3A_197 {strides = array<i32>} : memref<200x128xi32, #tpu.memory_space<vmem>>, vector<1x16xi32>,
      %get3A_198 = arith.index_cast %scan3A_102 : i32 to index
      %get3A_199 = arith.constant 112 : index
      %get3A_200 = tpu.vector_load %arg8[%get3A_198, %get3A_199] {strides = array<i32>} : memref<200x128xi32, #tpu.memory_space<vmem>>, vector<1x16xi32>,
      %get3A_201 = vector.shape_cast %get3A_200 : vector<1x16xi32> to vector<16xi32>
      %broadcast_in_dim3A_202 = arith.constant 1 : i32
      %broadcast_in_dim3A_203 = vector.broadcast %broadcast_in_dim3A_202 : i32 to vector<16xi32>
      %mul3A_204 = vector.broadcast %mul3A_4 : i32 to vector<16xi32>
      %mul3A_205 = arith.muli %broadcast_in_dim3A_203, %mul3A_204 : vector<16xi32>
      %add3A_206 = arith.addi %get3A_201, %mul3A_205 : vector<16xi32>
      %swap3A_207 = arith.index_cast %scan3A_102 : i32 to index
      %swap3A_208 = arith.constant 112 : index
      %swap3A_209 = tpu.vector_load %arg8[%swap3A_207, %swap3A_208] {strides = array<i32>} : memref<200x128xi32, #tpu.memory_space<vmem>>, vector<1x16xi32>,
      %swap3A_210 = vector.shape_cast %swap3A_209 : vector<1x16xi32> to vector<16xi32>
      %swap3A_211 = vector.shape_cast %add3A_206 : vector<16xi32> to vector<1x16xi32>
      tpu.vector_store %arg8[%swap3A_207, %swap3A_208], %swap3A_211 {strides = array<i32>} : memref<200x128xi32, #tpu.memory_space<vmem>>, vector<1x16xi32>,
    }
    %scan3A_9 = arith.constant 200 : i32
    %mul3A_10 = arith.constant 200 : i32
    %mul3A_11 = arith.muli %mul3A_2, %mul3A_10 : i32
    "tpu.region"() ({
      %run_scoped3A = tpu.sem_alloc : memref<!tpu.dma_semaphore, #tpu.memory_space<semaphore_mem>>
      %dma_start3A = tpu.memref_slice %arg2[%mul3A_11] : memref<819200xi32, #tpu.memory_space<hbm>> -> memref<25600xi32, #tpu.memory_space<hbm>>
      %dma_start3A_102 = tpu.memref_slice %arg2[%mul3A_11] : memref<819200xi32, #tpu.memory_space<hbm>> -> memref<25600xi32, #tpu.memory_space<hbm>>
      tpu.enqueue_dma source(%dma_start3A_102 : memref<25600xi32, #tpu.memory_space<hbm>>) target(%arg7 : memref<25600xi32, #tpu.memory_space<vmem>>) target_semaphore(%run_scoped3A : memref<!tpu.dma_semaphore, #tpu.memory_space<semaphore_mem>>)
      %dma_wait3A_103 = tpu.memref_slice %arg2[%mul3A_11] : memref<819200xi32, #tpu.memory_space<hbm>> -> memref<25600xi32, #tpu.memory_space<hbm>>
      %dma_wait3A_104 = tpu.memref_slice %arg2[%mul3A_11] : memref<819200xi32, #tpu.memory_space<hbm>> -> memref<25600xi32, #tpu.memory_space<hbm>>
      tpu.wait_dma2 semaphore(%run_scoped3A : memref<!tpu.dma_semaphore, #tpu.memory_space<semaphore_mem>>) src(%dma_wait3A_104 : memref<25600xi32, #tpu.memory_space<hbm>>) dst(%arg7 : memref<25600xi32, #tpu.memory_space<vmem>>)
      tpu.yield
    }) : () -> ()
    %scan3A_12 = arith.constant 0 : i32
    %scan3A_13 = arith.constant 0 : i32
    %scan3A_14 = arith.constant 128 : i32
    %scan3A_15 = arith.addi %scan3A_13, %scan3A_14 : i32
    %scan3A_16 = arith.constant 1 : i32
    scf.for %scan3A_102 = %scan3A_13 to %scan3A_15 step %scan3A_16  : i32 {
      %broadcast_in_dim3A = arith.constant 0.000000e+00 : f32
      %broadcast_in_dim3A_103 = vector.broadcast %broadcast_in_dim3A : f32 to vector<16xf32>
      %swap3A = arith.index_cast %scan3A_102 : i32 to index
      %swap3A_104 = arith.constant 0 : index
      %swap3A_105 = tpu.vector_load %arg10[%swap3A, %swap3A_104] {strides = array<i32>} : memref<128x64xf32, #tpu.memory_space<vmem>>, vector<1x16xf32>,
      %swap3A_106 = vector.shape_cast %swap3A_105 : vector<1x16xf32> to vector<16xf32>
      %swap3A_107 = vector.shape_cast %broadcast_in_dim3A_103 : vector<16xf32> to vector<1x16xf32>
      tpu.vector_store %arg10[%swap3A, %swap3A_104], %swap3A_107 {strides = array<i32>} : memref<128x64xf32, #tpu.memory_space<vmem>>, vector<1x16xf32>,
      %broadcast_in_dim3A_108 = arith.constant 0.000000e+00 : f32
      %broadcast_in_dim3A_109 = vector.broadcast %broadcast_in_dim3A_108 : f32 to vector<16xf32>
      %swap3A_110 = arith.index_cast %scan3A_102 : i32 to index
      %swap3A_111 = arith.constant 16 : index
      %swap3A_112 = tpu.vector_load %arg10[%swap3A_110, %swap3A_111] {strides = array<i32>} : memref<128x64xf32, #tpu.memory_space<vmem>>, vector<1x16xf32>,
      %swap3A_113 = vector.shape_cast %swap3A_112 : vector<1x16xf32> to vector<16xf32>
      %swap3A_114 = vector.shape_cast %broadcast_in_dim3A_109 : vector<16xf32> to vector<1x16xf32>
      tpu.vector_store %arg10[%swap3A_110, %swap3A_111], %swap3A_114 {strides = array<i32>} : memref<128x64xf32, #tpu.memory_space<vmem>>, vector<1x16xf32>,
      %broadcast_in_dim3A_115 = arith.constant 0.000000e+00 : f32
      %broadcast_in_dim3A_116 = vector.broadcast %broadcast_in_dim3A_115 : f32 to vector<16xf32>
      %swap3A_117 = arith.index_cast %scan3A_102 : i32 to index
      %swap3A_118 = arith.constant 32 : index
      %swap3A_119 = tpu.vector_load %arg10[%swap3A_117, %swap3A_118] {strides = array<i32>} : memref<128x64xf32, #tpu.memory_space<vmem>>, vector<1x16xf32>,
      %swap3A_120 = vector.shape_cast %swap3A_119 : vector<1x16xf32> to vector<16xf32>
      %swap3A_121 = vector.shape_cast %broadcast_in_dim3A_116 : vector<16xf32> to vector<1x16xf32>
      tpu.vector_store %arg10[%swap3A_117, %swap3A_118], %swap3A_121 {strides = array<i32>} : memref<128x64xf32, #tpu.memory_space<vmem>>, vector<1x16xf32>,
      %broadcast_in_dim3A_122 = arith.constant 0.000000e+00 : f32
      %broadcast_in_dim3A_123 = vector.broadcast %broadcast_in_dim3A_122 : f32 to vector<16xf32>
      %swap3A_124 = arith.index_cast %scan3A_102 : i32 to index
      %swap3A_125 = arith.constant 48 : index
      %swap3A_126 = tpu.vector_load %arg10[%swap3A_124, %swap3A_125] {strides = array<i32>} : memref<128x64xf32, #tpu.memory_space<vmem>>, vector<1x16xf32>,
      %swap3A_127 = vector.shape_cast %swap3A_126 : vector<1x16xf32> to vector<16xf32>
      %swap3A_128 = vector.shape_cast %broadcast_in_dim3A_123 : vector<16xf32> to vector<1x16xf32>
      tpu.vector_store %arg10[%swap3A_124, %swap3A_125], %swap3A_128 {strides = array<i32>} : memref<128x64xf32, #tpu.memory_space<vmem>>, vector<1x16xf32>,
    }
    %scan3A_17 = arith.constant 128 : i32
    %multiple_of3A = tpu.assume_multiple %mul3A_4, 8 : i32
    "tpu.region"() ({
      %run_scoped3A = tpu.sem_alloc : memref<!tpu.dma_semaphore, #tpu.memory_space<semaphore_mem>>
      %dma_start3A = arith.constant 0 : i32
      %dma_start3A_102 = tpu.memref_slice %arg9[%multiple_of3A, %dma_start3A] : memref<2048x64xf32, #tpu.memory_space<vmem_shared>> -> memref<128x64xf32, #tpu.memory_space<vmem_shared>>
      %dma_start3A_103 = arith.constant 0 : i32
      %dma_start3A_104 = tpu.memref_slice %arg9[%multiple_of3A, %dma_start3A_103] : memref<2048x64xf32, #tpu.memory_space<vmem_shared>> -> memref<128x64xf32, #tpu.memory_space<vmem_shared>>
      tpu.enqueue_dma source(%arg10 : memref<128x64xf32, #tpu.memory_space<vmem>>) target(%dma_start3A_104 : memref<128x64xf32, #tpu.memory_space<vmem_shared>>) target_semaphore(%run_scoped3A : memref<!tpu.dma_semaphore, #tpu.memory_space<semaphore_mem>>)
      %dma_wait3A_105 = arith.constant 0 : i32
      %dma_wait3A_106 = tpu.memref_slice %arg9[%multiple_of3A, %dma_wait3A_105] : memref<2048x64xf32, #tpu.memory_space<vmem_shared>> -> memref<128x64xf32, #tpu.memory_space<vmem_shared>>
      %dma_wait3A_107 = arith.constant 0 : i32
      %dma_wait3A_108 = tpu.memref_slice %arg9[%multiple_of3A, %dma_wait3A_107] : memref<2048x64xf32, #tpu.memory_space<vmem_shared>> -> memref<128x64xf32, #tpu.memory_space<vmem_shared>>
      tpu.wait_dma2 semaphore(%run_scoped3A : memref<!tpu.dma_semaphore, #tpu.memory_space<semaphore_mem>>) src(%arg10 : memref<128x64xf32, #tpu.memory_space<vmem>>) dst(%dma_wait3A_108 : memref<128x64xf32, #tpu.memory_space<vmem_shared>>)
      tpu.yield
    }) : () -> ()
    %scan3A_18 = arith.constant 0 : i32
    %scan3A_19 = arith.constant 0 : i32
    %scan3A_20 = arith.constant 51 : i32
    %scan3A_21 = arith.addi %scan3A_19, %scan3A_20 : i32
    %scan3A_22 = arith.constant 1 : i32
    scf.for %scan3A_102 = %scan3A_19 to %scan3A_21 step %scan3A_22  : i32 {
      %mul3A_103 = arith.constant 4 : i32
      %mul3A_104 = arith.muli %scan3A_102, %mul3A_103 : i32
      %add3A_105 = arith.constant 0 : i32
      %add3A_106 = arith.addi %mul3A_104, %add3A_105 : i32
      %sub3A = arith.constant 2 : i32
      %sub3A_107 = arith.subi %add3A_106, %sub3A : i32
      %ge3A = arith.constant 0 : i32
      %ge3A_108 = arith.cmpi sge, %sub3A_107, %ge3A : i32
      %lt3A = arith.constant 200 : i32
      %lt3A_109 = arith.cmpi slt, %sub3A_107, %lt3A : i32
      %and3A = arith.andi %ge3A_108, %lt3A_109 : i1
      %convert_element_type3A = arith.extui %and3A : i1 to i32
      %cond3A = arith.constant 0 : i32
      %cond3A_110 = arith.cmpi ne, %convert_element_type3A, %cond3A : i32
      scf.if %cond3A_110 {
        %mul3A_173 = arith.constant 128 : i32
        %mul3A_174 = arith.muli %sub3A_107, %mul3A_173 : i32
        %multiple_of3A_175 = tpu.assume_multiple %mul3A_174, 8 : i32
        %dma_wait3A_176 = tpu.memref_slice %arg7[%multiple_of3A_175] : memref<25600xi32, #tpu.memory_space<vmem>> -> memref<128xi32, #tpu.memory_space<vmem>>
        %dma_wait3A_177 = arith.constant 0 : i32
        %dma_wait3A_178 = arith.constant 0 : i32
        %dma_wait3A_179 = tpu.memref_slice %arg4[%dma_wait3A_177, %dma_wait3A_178] : memref<1000000x64xf32, #tpu.memory_space<hbm>> -> memref<1000000x64xf32, #tpu.memory_space<hbm>>
        tpu.wait_indirect_dma semaphore(%arg16 : memref<!tpu.dma_semaphore, #tpu.memory_space<semaphore_mem>>) src(%dma_wait3A_179 : memref<1000000x64xf32, #tpu.memory_space<hbm>>) dst(%arg12 : memref<128x64xf32, #tpu.memory_space<vmem>>)
        %dma_start3A = arith.constant 0 : i32
        %dma_start3A_180 = tpu.memref_slice %arg8[%sub3A_107, %dma_start3A] : memref<200x128xi32, #tpu.memory_space<vmem>> -> memref<1x128xi32, #tpu.memory_space<vmem>>
        %dma_start3A_181 = tpu.memref_squeeze %dma_start3A_180 : memref<1x128xi32, #tpu.memory_space<vmem>> -> memref<128xi32, #tpu.memory_space<vmem>>
        %dma_start3A_182 = arith.constant 0 : i32
        %dma_start3A_183 = arith.constant 0 : i32
        %dma_start3A_184 = tpu.memref_slice %arg9[%dma_start3A_182, %dma_start3A_183] : memref<2048x64xf32, #tpu.memory_space<vmem_shared>> -> memref<2048x64xf32, #tpu.memory_space<vmem_shared>>
        tpu.enqueue_indirect_dma source(%arg12 : memref<128x64xf32, #tpu.memory_space<vmem>>) target(%dma_start3A_184 : memref<2048x64xf32, #tpu.memory_space<vmem_shared>>) offsets(%dma_start3A_181 : memref<128xi32, #tpu.memory_space<vmem>>) semaphore(%arg20 : memref<!tpu.dma_semaphore, #tpu.memory_space<semaphore_mem>>) {add = true}
      } else {
      }
      %lt3A_111 = arith.constant 200 : i32
      %lt3A_112 = arith.cmpi slt, %add3A_106, %lt3A_111 : i32
      %convert_element_type3A_113 = arith.extui %lt3A_112 : i1 to i32
      %cond3A_114 = arith.constant 0 : i32
      %cond3A_115 = arith.cmpi ne, %convert_element_type3A_113, %cond3A_114 : i32
      scf.if %cond3A_115 {
        %ge3A_173 = arith.constant 4 : i32
        %ge3A_174 = arith.cmpi sge, %add3A_106, %ge3A_173 : i32
        %convert_element_type3A_175 = arith.extui %ge3A_174 : i1 to i32
        %cond3A_176 = arith.constant 0 : i32
        %cond3A_177 = arith.cmpi ne, %convert_element_type3A_175, %cond3A_176 : i32
        scf.if %cond3A_177 {
          %sub3A_184 = arith.constant 4 : i32
          %sub3A_185 = arith.subi %add3A_106, %sub3A_184 : i32
          %dma_wait3A_186 = arith.constant 0 : i32
          %dma_wait3A_187 = tpu.memref_slice %arg8[%sub3A_185, %dma_wait3A_186] : memref<200x128xi32, #tpu.memory_space<vmem>> -> memref<1x128xi32, #tpu.memory_space<vmem>>
          %dma_wait3A_188 = tpu.memref_squeeze %dma_wait3A_187 : memref<1x128xi32, #tpu.memory_space<vmem>> -> memref<128xi32, #tpu.memory_space<vmem>>
          %dma_wait3A_189 = arith.constant 0 : i32
          %dma_wait3A_190 = arith.constant 0 : i32
          %dma_wait3A_191 = tpu.memref_slice %arg9[%dma_wait3A_189, %dma_wait3A_190] : memref<2048x64xf32, #tpu.memory_space<vmem_shared>> -> memref<2048x64xf32, #tpu.memory_space<vmem_shared>>
          tpu.wait_indirect_dma semaphore(%arg18 : memref<!tpu.dma_semaphore, #tpu.memory_space<semaphore_mem>>) src(%arg10 : memref<128x64xf32, #tpu.memory_space<vmem>>) dst(%dma_wait3A_191 : memref<2048x64xf32, #tpu.memory_space<vmem_shared>>)
        } else {
        }
        %mul3A_178 = arith.constant 128 : i32
        %mul3A_179 = arith.muli %add3A_106, %mul3A_178 : i32
        %multiple_of3A_180 = tpu.assume_multiple %mul3A_179, 8 : i32
        %dma_start3A = tpu.memref_slice %arg7[%multiple_of3A_180] : memref<25600xi32, #tpu.memory_space<vmem>> -> memref<128xi32, #tpu.memory_space<vmem>>
        %dma_start3A_181 = arith.constant 0 : i32
        %dma_start3A_182 = arith.constant 0 : i32
        %dma_start3A_183 = tpu.memref_slice %arg4[%dma_start3A_181, %dma_start3A_182] : memref<1000000x64xf32, #tpu.memory_space<hbm>> -> memref<1000000x64xf32, #tpu.memory_space<hbm>>
        tpu.enqueue_indirect_dma source(%dma_start3A_183 : memref<1000000x64xf32, #tpu.memory_space<hbm>>) target(%arg10 : memref<128x64xf32, #tpu.memory_space<vmem>>) offsets(%dma_start3A : memref<128xi32, #tpu.memory_space<vmem>>) semaphore(%arg14 : memref<!tpu.dma_semaphore, #tpu.memory_space<semaphore_mem>>)
      } else {
      }
      %mul3A_116 = arith.constant 4 : i32
      %mul3A_117 = arith.muli %scan3A_102, %mul3A_116 : i32
      %add3A_118 = arith.constant 1 : i32
      %add3A_119 = arith.addi %mul3A_117, %add3A_118 : i32
      %sub3A_120 = arith.constant 2 : i32
      %sub3A_121 = arith.subi %add3A_119, %sub3A_120 : i32
      %ge3A_122 = arith.constant 0 : i32
      %ge3A_123 = arith.cmpi sge, %sub3A_121, %ge3A_122 : i32
      %lt3A_124 = arith.constant 200 : i32
      %lt3A_125 = arith.cmpi slt, %sub3A_121, %lt3A_124 : i32
      %and3A_126 = arith.andi %ge3A_123, %lt3A_125 : i1
      %convert_element_type3A_127 = arith.extui %and3A_126 : i1 to i32
      %cond3A_128 = arith.constant 0 : i32
      %cond3A_129 = arith.cmpi ne, %convert_element_type3A_127, %cond3A_128 : i32
      scf.if %cond3A_129 {
        %mul3A_173 = arith.constant 128 : i32
        %mul3A_174 = arith.muli %sub3A_121, %mul3A_173 : i32
        %multiple_of3A_175 = tpu.assume_multiple %mul3A_174, 8 : i32
        %dma_wait3A_176 = tpu.memref_slice %arg7[%multiple_of3A_175] : memref<25600xi32, #tpu.memory_space<vmem>> -> memref<128xi32, #tpu.memory_space<vmem>>
        %dma_wait3A_177 = arith.constant 0 : i32
        %dma_wait3A_178 = arith.constant 0 : i32
        %dma_wait3A_179 = tpu.memref_slice %arg4[%dma_wait3A_177, %dma_wait3A_178] : memref<1000000x64xf32, #tpu.memory_space<hbm>> -> memref<1000000x64xf32, #tpu.memory_space<hbm>>
        tpu.wait_indirect_dma semaphore(%arg17 : memref<!tpu.dma_semaphore, #tpu.memory_space<semaphore_mem>>) src(%dma_wait3A_179 : memref<1000000x64xf32, #tpu.memory_space<hbm>>) dst(%arg13 : memref<128x64xf32, #tpu.memory_space<vmem>>)
        %dma_start3A = arith.constant 0 : i32
        %dma_start3A_180 = tpu.memref_slice %arg8[%sub3A_121, %dma_start3A] : memref<200x128xi32, #tpu.memory_space<vmem>> -> memref<1x128xi32, #tpu.memory_space<vmem>>
        %dma_start3A_181 = tpu.memref_squeeze %dma_start3A_180 : memref<1x128xi32, #tpu.memory_space<vmem>> -> memref<128xi32, #tpu.memory_space<vmem>>
        %dma_start3A_182 = arith.constant 0 : i32
        %dma_start3A_183 = arith.constant 0 : i32
        %dma_start3A_184 = tpu.memref_slice %arg9[%dma_start3A_182, %dma_start3A_183] : memref<2048x64xf32, #tpu.memory_space<vmem_shared>> -> memref<2048x64xf32, #tpu.memory_space<vmem_shared>>
        tpu.enqueue_indirect_dma source(%arg13 : memref<128x64xf32, #tpu.memory_space<vmem>>) target(%dma_start3A_184 : memref<2048x64xf32, #tpu.memory_space<vmem_shared>>) offsets(%dma_start3A_181 : memref<128xi32, #tpu.memory_space<vmem>>) semaphore(%arg21 : memref<!tpu.dma_semaphore, #tpu.memory_space<semaphore_mem>>) {add = true}
      } else {
      }
      %lt3A_130 = arith.constant 200 : i32
      %lt3A_131 = arith.cmpi slt, %add3A_119, %lt3A_130 : i32
      %convert_element_type3A_132 = arith.extui %lt3A_131 : i1 to i32
      %cond3A_133 = arith.constant 0 : i32
      %cond3A_134 = arith.cmpi ne, %convert_element_type3A_132, %cond3A_133 : i32
      scf.if %cond3A_134 {
        %ge3A_173 = arith.constant 4 : i32
        %ge3A_174 = arith.cmpi sge, %add3A_119, %ge3A_173 : i32
        %convert_element_type3A_175 = arith.extui %ge3A_174 : i1 to i32
        %cond3A_176 = arith.constant 0 : i32
        %cond3A_177 = arith.cmpi ne, %convert_element_type3A_175, %cond3A_176 : i32
        scf.if %cond3A_177 {
          %sub3A_184 = arith.constant 4 : i32
          %sub3A_185 = arith.subi %add3A_119, %sub3A_184 : i32
          %dma_wait3A_186 = arith.constant 0 : i32
          %dma_wait3A_187 = tpu.memref_slice %arg8[%sub3A_185, %dma_wait3A_186] : memref<200x128xi32, #tpu.memory_space<vmem>> -> memref<1x128xi32, #tpu.memory_space<vmem>>
          %dma_wait3A_188 = tpu.memref_squeeze %dma_wait3A_187 : memref<1x128xi32, #tpu.memory_space<vmem>> -> memref<128xi32, #tpu.memory_space<vmem>>
          %dma_wait3A_189 = arith.constant 0 : i32
          %dma_wait3A_190 = arith.constant 0 : i32
          %dma_wait3A_191 = tpu.memref_slice %arg9[%dma_wait3A_189, %dma_wait3A_190] : memref<2048x64xf32, #tpu.memory_space<vmem_shared>> -> memref<2048x64xf32, #tpu.memory_space<vmem_shared>>
          tpu.wait_indirect_dma semaphore(%arg19 : memref<!tpu.dma_semaphore, #tpu.memory_space<semaphore_mem>>) src(%arg11 : memref<128x64xf32, #tpu.memory_space<vmem>>) dst(%dma_wait3A_191 : memref<2048x64xf32, #tpu.memory_space<vmem_shared>>)
        } else {
        }
        %mul3A_178 = arith.constant 128 : i32
        %mul3A_179 = arith.muli %add3A_119, %mul3A_178 : i32
        %multiple_of3A_180 = tpu.assume_multiple %mul3A_179, 8 : i32
        %dma_start3A = tpu.memref_slice %arg7[%multiple_of3A_180] : memref<25600xi32, #tpu.memory_space<vmem>> -> memref<128xi32, #tpu.memory_space<vmem>>
        %dma_start3A_181 = arith.constant 0 : i32
        %dma_start3A_182 = arith.constant 0 : i32
        %dma_start3A_183 = tpu.memref_slice %arg4[%dma_start3A_181, %dma_start3A_182] : memref<1000000x64xf32, #tpu.memory_space<hbm>> -> memref<1000000x64xf32, #tpu.memory_space<hbm>>
        tpu.enqueue_indirect_dma source(%dma_start3A_183 : memref<1000000x64xf32, #tpu.memory_space<hbm>>) target(%arg11 : memref<128x64xf32, #tpu.memory_space<vmem>>) offsets(%dma_start3A : memref<128xi32, #tpu.memory_space<vmem>>) semaphore(%arg15 : memref<!tpu.dma_semaphore, #tpu.memory_space<semaphore_mem>>)
      } else {
      }
      %mul3A_135 = arith.constant 4 : i32
      %mul3A_136 = arith.muli %scan3A_102, %mul3A_135 : i32
      %add3A_137 = arith.constant 2 : i32
      %add3A_138 = arith.addi %mul3A_136, %add3A_137 : i32
      %sub3A_139 = arith.constant 2 : i32
      %sub3A_140 = arith.subi %add3A_138, %sub3A_139 : i32
      %ge3A_141 = arith.constant 0 : i32
      %ge3A_142 = arith.cmpi sge, %sub3A_140, %ge3A_141 : i32
      %lt3A_143 = arith.constant 200 : i32
      %lt3A_144 = arith.cmpi slt, %sub3A_140, %lt3A_143 : i32
      %and3A_145 = arith.andi %ge3A_142, %lt3A_144 : i1
      %convert_element_type3A_146 = arith.extui %and3A_145 : i1 to i32
      %cond3A_147 = arith.constant 0 : i32
      %cond3A_148 = arith.cmpi ne, %convert_element_type3A_146, %cond3A_147 : i32
      scf.if %cond3A_148 {
        %mul3A_173 = arith.constant 128 : i32
        %mul3A_174 = arith.muli %sub3A_140, %mul3A_173 : i32
        %multiple_of3A_175 = tpu.assume_multiple %mul3A_174, 8 : i32
        %dma_wait3A_176 = tpu.memref_slice %arg7[%multiple_of3A_175] : memref<25600xi32, #tpu.memory_space<vmem>> -> memref<128xi32, #tpu.memory_space<vmem>>
        %dma_wait3A_177 = arith.constant 0 : i32
        %dma_wait3A_178 = arith.constant 0 : i32
        %dma_wait3A_179 = tpu.memref_slice %arg4[%dma_wait3A_177, %dma_wait3A_178] : memref<1000000x64xf32, #tpu.memory_space<hbm>> -> memref<1000000x64xf32, #tpu.memory_space<hbm>>
        tpu.wait_indirect_dma semaphore(%arg14 : memref<!tpu.dma_semaphore, #tpu.memory_space<semaphore_mem>>) src(%dma_wait3A_179 : memref<1000000x64xf32, #tpu.memory_space<hbm>>) dst(%arg10 : memref<128x64xf32, #tpu.memory_space<vmem>>)
        %dma_start3A = arith.constant 0 : i32
        %dma_start3A_180 = tpu.memref_slice %arg8[%sub3A_140, %dma_start3A] : memref<200x128xi32, #tpu.memory_space<vmem>> -> memref<1x128xi32, #tpu.memory_space<vmem>>
        %dma_start3A_181 = tpu.memref_squeeze %dma_start3A_180 : memref<1x128xi32, #tpu.memory_space<vmem>> -> memref<128xi32, #tpu.memory_space<vmem>>
        %dma_start3A_182 = arith.constant 0 : i32
        %dma_start3A_183 = arith.constant 0 : i32
        %dma_start3A_184 = tpu.memref_slice %arg9[%dma_start3A_182, %dma_start3A_183] : memref<2048x64xf32, #tpu.memory_space<vmem_shared>> -> memref<2048x64xf32, #tpu.memory_space<vmem_shared>>
        tpu.enqueue_indirect_dma source(%arg10 : memref<128x64xf32, #tpu.memory_space<vmem>>) target(%dma_start3A_184 : memref<2048x64xf32, #tpu.memory_space<vmem_shared>>) offsets(%dma_start3A_181 : memref<128xi32, #tpu.memory_space<vmem>>) semaphore(%arg18 : memref<!tpu.dma_semaphore, #tpu.memory_space<semaphore_mem>>) {add = true}
      } else {
      }
      %lt3A_149 = arith.constant 200 : i32
      %lt3A_150 = arith.cmpi slt, %add3A_138, %lt3A_149 : i32
      %convert_element_type3A_151 = arith.extui %lt3A_150 : i1 to i32
      %cond3A_152 = arith.constant 0 : i32
      %cond3A_153 = arith.cmpi ne, %convert_element_type3A_151, %cond3A_152 : i32
      scf.if %cond3A_153 {
        %ge3A_173 = arith.constant 4 : i32
        %ge3A_174 = arith.cmpi sge, %add3A_138, %ge3A_173 : i32
        %convert_element_type3A_175 = arith.extui %ge3A_174 : i1 to i32
        %cond3A_176 = arith.constant 0 : i32
        %cond3A_177 = arith.cmpi ne, %convert_element_type3A_175, %cond3A_176 : i32
        scf.if %cond3A_177 {
          %sub3A_184 = arith.constant 4 : i32
          %sub3A_185 = arith.subi %add3A_138, %sub3A_184 : i32
          %dma_wait3A_186 = arith.constant 0 : i32
          %dma_wait3A_187 = tpu.memref_slice %arg8[%sub3A_185, %dma_wait3A_186] : memref<200x128xi32, #tpu.memory_space<vmem>> -> memref<1x128xi32, #tpu.memory_space<vmem>>
          %dma_wait3A_188 = tpu.memref_squeeze %dma_wait3A_187 : memref<1x128xi32, #tpu.memory_space<vmem>> -> memref<128xi32, #tpu.memory_space<vmem>>
          %dma_wait3A_189 = arith.constant 0 : i32
          %dma_wait3A_190 = arith.constant 0 : i32
          %dma_wait3A_191 = tpu.memref_slice %arg9[%dma_wait3A_189, %dma_wait3A_190] : memref<2048x64xf32, #tpu.memory_space<vmem_shared>> -> memref<2048x64xf32, #tpu.memory_space<vmem_shared>>
          tpu.wait_indirect_dma semaphore(%arg20 : memref<!tpu.dma_semaphore, #tpu.memory_space<semaphore_mem>>) src(%arg12 : memref<128x64xf32, #tpu.memory_space<vmem>>) dst(%dma_wait3A_191 : memref<2048x64xf32, #tpu.memory_space<vmem_shared>>)
        } else {
        }
        %mul3A_178 = arith.constant 128 : i32
        %mul3A_179 = arith.muli %add3A_138, %mul3A_178 : i32
        %multiple_of3A_180 = tpu.assume_multiple %mul3A_179, 8 : i32
        %dma_start3A = tpu.memref_slice %arg7[%multiple_of3A_180] : memref<25600xi32, #tpu.memory_space<vmem>> -> memref<128xi32, #tpu.memory_space<vmem>>
        %dma_start3A_181 = arith.constant 0 : i32
        %dma_start3A_182 = arith.constant 0 : i32
        %dma_start3A_183 = tpu.memref_slice %arg4[%dma_start3A_181, %dma_start3A_182] : memref<1000000x64xf32, #tpu.memory_space<hbm>> -> memref<1000000x64xf32, #tpu.memory_space<hbm>>
        tpu.enqueue_indirect_dma source(%dma_start3A_183 : memref<1000000x64xf32, #tpu.memory_space<hbm>>) target(%arg12 : memref<128x64xf32, #tpu.memory_space<vmem>>) offsets(%dma_start3A : memref<128xi32, #tpu.memory_space<vmem>>) semaphore(%arg16 : memref<!tpu.dma_semaphore, #tpu.memory_space<semaphore_mem>>)
      } else {
      }
      %mul3A_154 = arith.constant 4 : i32
      %mul3A_155 = arith.muli %scan3A_102, %mul3A_154 : i32
      %add3A_156 = arith.constant 3 : i32
      %add3A_157 = arith.addi %mul3A_155, %add3A_156 : i32
      %sub3A_158 = arith.constant 2 : i32
      %sub3A_159 = arith.subi %add3A_157, %sub3A_158 : i32
      %ge3A_160 = arith.constant 0 : i32
      %ge3A_161 = arith.cmpi sge, %sub3A_159, %ge3A_160 : i32
      %lt3A_162 = arith.constant 200 : i32
      %lt3A_163 = arith.cmpi slt, %sub3A_159, %lt3A_162 : i32
      %and3A_164 = arith.andi %ge3A_161, %lt3A_163 : i1
      %convert_element_type3A_165 = arith.extui %and3A_164 : i1 to i32
      %cond3A_166 = arith.constant 0 : i32
      %cond3A_167 = arith.cmpi ne, %convert_element_type3A_165, %cond3A_166 : i32
      scf.if %cond3A_167 {
        %mul3A_173 = arith.constant 128 : i32
        %mul3A_174 = arith.muli %sub3A_159, %mul3A_173 : i32
        %multiple_of3A_175 = tpu.assume_multiple %mul3A_174, 8 : i32
        %dma_wait3A_176 = tpu.memref_slice %arg7[%multiple_of3A_175] : memref<25600xi32, #tpu.memory_space<vmem>> -> memref<128xi32, #tpu.memory_space<vmem>>
        %dma_wait3A_177 = arith.constant 0 : i32
        %dma_wait3A_178 = arith.constant 0 : i32
        %dma_wait3A_179 = tpu.memref_slice %arg4[%dma_wait3A_177, %dma_wait3A_178] : memref<1000000x64xf32, #tpu.memory_space<hbm>> -> memref<1000000x64xf32, #tpu.memory_space<hbm>>
        tpu.wait_indirect_dma semaphore(%arg15 : memref<!tpu.dma_semaphore, #tpu.memory_space<semaphore_mem>>) src(%dma_wait3A_179 : memref<1000000x64xf32, #tpu.memory_space<hbm>>) dst(%arg11 : memref<128x64xf32, #tpu.memory_space<vmem>>)
        %dma_start3A = arith.constant 0 : i32
        %dma_start3A_180 = tpu.memref_slice %arg8[%sub3A_159, %dma_start3A] : memref<200x128xi32, #tpu.memory_space<vmem>> -> memref<1x128xi32, #tpu.memory_space<vmem>>
        %dma_start3A_181 = tpu.memref_squeeze %dma_start3A_180 : memref<1x128xi32, #tpu.memory_space<vmem>> -> memref<128xi32, #tpu.memory_space<vmem>>
        %dma_start3A_182 = arith.constant 0 : i32
        %dma_start3A_183 = arith.constant 0 : i32
        %dma_start3A_184 = tpu.memref_slice %arg9[%dma_start3A_182, %dma_start3A_183] : memref<2048x64xf32, #tpu.memory_space<vmem_shared>> -> memref<2048x64xf32, #tpu.memory_space<vmem_shared>>
        tpu.enqueue_indirect_dma source(%arg11 : memref<128x64xf32, #tpu.memory_space<vmem>>) target(%dma_start3A_184 : memref<2048x64xf32, #tpu.memory_space<vmem_shared>>) offsets(%dma_start3A_181 : memref<128xi32, #tpu.memory_space<vmem>>) semaphore(%arg19 : memref<!tpu.dma_semaphore, #tpu.memory_space<semaphore_mem>>) {add = true}
      } else {
      }
      %lt3A_168 = arith.constant 200 : i32
      %lt3A_169 = arith.cmpi slt, %add3A_157, %lt3A_168 : i32
      %convert_element_type3A_170 = arith.extui %lt3A_169 : i1 to i32
      %cond3A_171 = arith.constant 0 : i32
      %cond3A_172 = arith.cmpi ne, %convert_element_type3A_170, %cond3A_171 : i32
      scf.if %cond3A_172 {
        %ge3A_173 = arith.constant 4 : i32
        %ge3A_174 = arith.cmpi sge, %add3A_157, %ge3A_173 : i32
        %convert_element_type3A_175 = arith.extui %ge3A_174 : i1 to i32
        %cond3A_176 = arith.constant 0 : i32
        %cond3A_177 = arith.cmpi ne, %convert_element_type3A_175, %cond3A_176 : i32
        scf.if %cond3A_177 {
          %sub3A_184 = arith.constant 4 : i32
          %sub3A_185 = arith.subi %add3A_157, %sub3A_184 : i32
          %dma_wait3A_186 = arith.constant 0 : i32
          %dma_wait3A_187 = tpu.memref_slice %arg8[%sub3A_185, %dma_wait3A_186] : memref<200x128xi32, #tpu.memory_space<vmem>> -> memref<1x128xi32, #tpu.memory_space<vmem>>
          %dma_wait3A_188 = tpu.memref_squeeze %dma_wait3A_187 : memref<1x128xi32, #tpu.memory_space<vmem>> -> memref<128xi32, #tpu.memory_space<vmem>>
          %dma_wait3A_189 = arith.constant 0 : i32
          %dma_wait3A_190 = arith.constant 0 : i32
          %dma_wait3A_191 = tpu.memref_slice %arg9[%dma_wait3A_189, %dma_wait3A_190] : memref<2048x64xf32, #tpu.memory_space<vmem_shared>> -> memref<2048x64xf32, #tpu.memory_space<vmem_shared>>
          tpu.wait_indirect_dma semaphore(%arg21 : memref<!tpu.dma_semaphore, #tpu.memory_space<semaphore_mem>>) src(%arg13 : memref<128x64xf32, #tpu.memory_space<vmem>>) dst(%dma_wait3A_191 : memref<2048x64xf32, #tpu.memory_space<vmem_shared>>)
        } else {
        }
        %mul3A_178 = arith.constant 128 : i32
        %mul3A_179 = arith.muli %add3A_157, %mul3A_178 : i32
        %multiple_of3A_180 = tpu.assume_multiple %mul3A_179, 8 : i32
        %dma_start3A = tpu.memref_slice %arg7[%multiple_of3A_180] : memref<25600xi32, #tpu.memory_space<vmem>> -> memref<128xi32, #tpu.memory_space<vmem>>
        %dma_start3A_181 = arith.constant 0 : i32
        %dma_start3A_182 = arith.constant 0 : i32
        %dma_start3A_183 = tpu.memref_slice %arg4[%dma_start3A_181, %dma_start3A_182] : memref<1000000x64xf32, #tpu.memory_space<hbm>> -> memref<1000000x64xf32, #tpu.memory_space<hbm>>
        tpu.enqueue_indirect_dma source(%dma_start3A_183 : memref<1000000x64xf32, #tpu.memory_space<hbm>>) target(%arg13 : memref<128x64xf32, #tpu.memory_space<vmem>>) offsets(%dma_start3A : memref<128xi32, #tpu.memory_space<vmem>>) semaphore(%arg17 : memref<!tpu.dma_semaphore, #tpu.memory_space<semaphore_mem>>)
      } else {
      }
    }
    %scan3A_23 = arith.constant 51 : i32
    %dma_wait3A = arith.constant 196 : i32
    %dma_wait3A_24 = arith.constant 0 : i32
    %dma_wait3A_25 = tpu.memref_slice %arg8[%dma_wait3A, %dma_wait3A_24] : memref<200x128xi32, #tpu.memory_space<vmem>> -> memref<1x128xi32, #tpu.memory_space<vmem>>
    %dma_wait3A_26 = tpu.memref_squeeze %dma_wait3A_25 : memref<1x128xi32, #tpu.memory_space<vmem>> -> memref<128xi32, #tpu.memory_space<vmem>>
    %dma_wait3A_27 = arith.constant 0 : i32
    %dma_wait3A_28 = arith.constant 0 : i32
    %dma_wait3A_29 = tpu.memref_slice %arg9[%dma_wait3A_27, %dma_wait3A_28] : memref<2048x64xf32, #tpu.memory_space<vmem_shared>> -> memref<2048x64xf32, #tpu.memory_space<vmem_shared>>
    tpu.wait_indirect_dma semaphore(%arg18 : memref<!tpu.dma_semaphore, #tpu.memory_space<semaphore_mem>>) src(%arg10 : memref<128x64xf32, #tpu.memory_space<vmem>>) dst(%dma_wait3A_29 : memref<2048x64xf32, #tpu.memory_space<vmem_shared>>)
    %dma_wait3A_30 = arith.constant 197 : i32
    %dma_wait3A_31 = arith.constant 0 : i32
    %dma_wait3A_32 = tpu.memref_slice %arg8[%dma_wait3A_30, %dma_wait3A_31] : memref<200x128xi32, #tpu.memory_space<vmem>> -> memref<1x128xi32, #tpu.memory_space<vmem>>
    %dma_wait3A_33 = tpu.memref_squeeze %dma_wait3A_32 : memref<1x128xi32, #tpu.memory_space<vmem>> -> memref<128xi32, #tpu.memory_space<vmem>>
    %dma_wait3A_34 = arith.constant 0 : i32
    %dma_wait3A_35 = arith.constant 0 : i32
    %dma_wait3A_36 = tpu.memref_slice %arg9[%dma_wait3A_34, %dma_wait3A_35] : memref<2048x64xf32, #tpu.memory_space<vmem_shared>> -> memref<2048x64xf32, #tpu.memory_space<vmem_shared>>
    tpu.wait_indirect_dma semaphore(%arg19 : memref<!tpu.dma_semaphore, #tpu.memory_space<semaphore_mem>>) src(%arg11 : memref<128x64xf32, #tpu.memory_space<vmem>>) dst(%dma_wait3A_36 : memref<2048x64xf32, #tpu.memory_space<vmem_shared>>)
    %dma_wait3A_37 = arith.constant 198 : i32
    %dma_wait3A_38 = arith.constant 0 : i32
    %dma_wait3A_39 = tpu.memref_slice %arg8[%dma_wait3A_37, %dma_wait3A_38] : memref<200x128xi32, #tpu.memory_space<vmem>> -> memref<1x128xi32, #tpu.memory_space<vmem>>
    %dma_wait3A_40 = tpu.memref_squeeze %dma_wait3A_39 : memref<1x128xi32, #tpu.memory_space<vmem>> -> memref<128xi32, #tpu.memory_space<vmem>>
    %dma_wait3A_41 = arith.constant 0 : i32
    %dma_wait3A_42 = arith.constant 0 : i32
    %dma_wait3A_43 = tpu.memref_slice %arg9[%dma_wait3A_41, %dma_wait3A_42] : memref<2048x64xf32, #tpu.memory_space<vmem_shared>> -> memref<2048x64xf32, #tpu.memory_space<vmem_shared>>
    tpu.wait_indirect_dma semaphore(%arg20 : memref<!tpu.dma_semaphore, #tpu.memory_space<semaphore_mem>>) src(%arg12 : memref<128x64xf32, #tpu.memory_space<vmem>>) dst(%dma_wait3A_43 : memref<2048x64xf32, #tpu.memory_space<vmem_shared>>)
    %dma_wait3A_44 = arith.constant 199 : i32
    %dma_wait3A_45 = arith.constant 0 : i32
    %dma_wait3A_46 = tpu.memref_slice %arg8[%dma_wait3A_44, %dma_wait3A_45] : memref<200x128xi32, #tpu.memory_space<vmem>> -> memref<1x128xi32, #tpu.memory_space<vmem>>
    %dma_wait3A_47 = tpu.memref_squeeze %dma_wait3A_46 : memref<1x128xi32, #tpu.memory_space<vmem>> -> memref<128xi32, #tpu.memory_space<vmem>>
    %dma_wait3A_48 = arith.constant 0 : i32
    %dma_wait3A_49 = arith.constant 0 : i32
    %dma_wait3A_50 = tpu.memref_slice %arg9[%dma_wait3A_48, %dma_wait3A_49] : memref<2048x64xf32, #tpu.memory_space<vmem_shared>> -> memref<2048x64xf32, #tpu.memory_space<vmem_shared>>
    tpu.wait_indirect_dma semaphore(%arg21 : memref<!tpu.dma_semaphore, #tpu.memory_space<semaphore_mem>>) src(%arg13 : memref<128x64xf32, #tpu.memory_space<vmem>>) dst(%dma_wait3A_50 : memref<2048x64xf32, #tpu.memory_space<vmem_shared>>)
    %multiple_of3A_51 = tpu.assume_multiple %mul3A_4, 8 : i32
    %add3A_52 = arith.constant 0 : i32
    %add3A_53 = arith.addi %add3A_52, %mul3A_2 : i32
    %multiple_of3A_54 = tpu.assume_multiple %add3A_53, 8 : i32
    "tpu.region"() ({
      %run_scoped3A = tpu.sem_alloc : memref<!tpu.dma_semaphore, #tpu.memory_space<semaphore_mem>>
      %dma_start3A = arith.constant 0 : i32
      %dma_start3A_102 = tpu.memref_slice %arg6[%multiple_of3A_54, %dma_start3A] : memref<8192x64xf32, #tpu.memory_space<hbm>> -> memref<128x64xf32, #tpu.memory_space<hbm>>
      %dma_start3A_103 = arith.constant 0 : i32
      %dma_start3A_104 = tpu.memref_slice %arg9[%multiple_of3A_51, %dma_start3A_103] : memref<2048x64xf32, #tpu.memory_space<vmem_shared>> -> memref<128x64xf32, #tpu.memory_space<vmem_shared>>
      tpu.enqueue_dma source(%dma_start3A_104 : memref<128x64xf32, #tpu.memory_space<vmem_shared>>) target(%dma_start3A_102 : memref<128x64xf32, #tpu.memory_space<hbm>>) target_semaphore(%run_scoped3A : memref<!tpu.dma_semaphore, #tpu.memory_space<semaphore_mem>>)
      %dma_wait3A_105 = arith.constant 0 : i32
      %dma_wait3A_106 = tpu.memref_slice %arg6[%multiple_of3A_54, %dma_wait3A_105] : memref<8192x64xf32, #tpu.memory_space<hbm>> -> memref<128x64xf32, #tpu.memory_space<hbm>>
      %dma_wait3A_107 = arith.constant 0 : i32
      %dma_wait3A_108 = tpu.memref_slice %arg9[%multiple_of3A_51, %dma_wait3A_107] : memref<2048x64xf32, #tpu.memory_space<vmem_shared>> -> memref<128x64xf32, #tpu.memory_space<vmem_shared>>
      tpu.wait_dma2 semaphore(%run_scoped3A : memref<!tpu.dma_semaphore, #tpu.memory_space<semaphore_mem>>) src(%dma_wait3A_108 : memref<128x64xf32, #tpu.memory_space<vmem_shared>>) dst(%dma_wait3A_106 : memref<128x64xf32, #tpu.memory_space<hbm>>)
      tpu.yield
    }) : () -> ()
    %mul3A_55 = arith.constant 200 : i32
    %mul3A_56 = arith.muli %mul3A_2, %mul3A_55 : i32
    "tpu.region"() ({
      %run_scoped3A = tpu.sem_alloc : memref<!tpu.dma_semaphore, #tpu.memory_space<semaphore_mem>>
      %dma_start3A = tpu.memref_slice %arg3[%mul3A_56] : memref<819200xi32, #tpu.memory_space<hbm>> -> memref<25600xi32, #tpu.memory_space<hbm>>
      %dma_start3A_102 = tpu.memref_slice %arg3[%mul3A_56] : memref<819200xi32, #tpu.memory_space<hbm>> -> memref<25600xi32, #tpu.memory_space<hbm>>
      tpu.enqueue_dma source(%dma_start3A_102 : memref<25600xi32, #tpu.memory_space<hbm>>) target(%arg7 : memref<25600xi32, #tpu.memory_space<vmem>>) target_semaphore(%run_scoped3A : memref<!tpu.dma_semaphore, #tpu.memory_space<semaphore_mem>>)
      %dma_wait3A_103 = tpu.memref_slice %arg3[%mul3A_56] : memref<819200xi32, #tpu.memory_space<hbm>> -> memref<25600xi32, #tpu.memory_space<hbm>>
      %dma_wait3A_104 = tpu.memref_slice %arg3[%mul3A_56] : memref<819200xi32, #tpu.memory_space<hbm>> -> memref<25600xi32, #tpu.memory_space<hbm>>
      tpu.wait_dma2 semaphore(%run_scoped3A : memref<!tpu.dma_semaphore, #tpu.memory_space<semaphore_mem>>) src(%dma_wait3A_104 : memref<25600xi32, #tpu.memory_space<hbm>>) dst(%arg7 : memref<25600xi32, #tpu.memory_space<vmem>>)
      tpu.yield
    }) : () -> ()
    %scan3A_57 = arith.constant 0 : i32
    %scan3A_58 = arith.constant 0 : i32
    %scan3A_59 = arith.constant 128 : i32
    %scan3A_60 = arith.addi %scan3A_58, %scan3A_59 : i32
    %scan3A_61 = arith.constant 1 : i32
    scf.for %scan3A_102 = %scan3A_58 to %scan3A_60 step %scan3A_61  : i32 {
      %broadcast_in_dim3A = arith.constant 0.000000e+00 : f32
      %broadcast_in_dim3A_103 = vector.broadcast %broadcast_in_dim3A : f32 to vector<16xf32>
      %swap3A = arith.index_cast %scan3A_102 : i32 to index
      %swap3A_104 = arith.constant 0 : index
      %swap3A_105 = tpu.vector_load %arg10[%swap3A, %swap3A_104] {strides = array<i32>} : memref<128x64xf32, #tpu.memory_space<vmem>>, vector<1x16xf32>,
      %swap3A_106 = vector.shape_cast %swap3A_105 : vector<1x16xf32> to vector<16xf32>
      %swap3A_107 = vector.shape_cast %broadcast_in_dim3A_103 : vector<16xf32> to vector<1x16xf32>
      tpu.vector_store %arg10[%swap3A, %swap3A_104], %swap3A_107 {strides = array<i32>} : memref<128x64xf32, #tpu.memory_space<vmem>>, vector<1x16xf32>,
      %broadcast_in_dim3A_108 = arith.constant 0.000000e+00 : f32
      %broadcast_in_dim3A_109 = vector.broadcast %broadcast_in_dim3A_108 : f32 to vector<16xf32>
      %swap3A_110 = arith.index_cast %scan3A_102 : i32 to index
      %swap3A_111 = arith.constant 16 : index
      %swap3A_112 = tpu.vector_load %arg10[%swap3A_110, %swap3A_111] {strides = array<i32>} : memref<128x64xf32, #tpu.memory_space<vmem>>, vector<1x16xf32>,
      %swap3A_113 = vector.shape_cast %swap3A_112 : vector<1x16xf32> to vector<16xf32>
      %swap3A_114 = vector.shape_cast %broadcast_in_dim3A_109 : vector<16xf32> to vector<1x16xf32>
      tpu.vector_store %arg10[%swap3A_110, %swap3A_111], %swap3A_114 {strides = array<i32>} : memref<128x64xf32, #tpu.memory_space<vmem>>, vector<1x16xf32>,
      %broadcast_in_dim3A_115 = arith.constant 0.000000e+00 : f32
      %broadcast_in_dim3A_116 = vector.broadcast %broadcast_in_dim3A_115 : f32 to vector<16xf32>
      %swap3A_117 = arith.index_cast %scan3A_102 : i32 to index
      %swap3A_118 = arith.constant 32 : index
      %swap3A_119 = tpu.vector_load %arg10[%swap3A_117, %swap3A_118] {strides = array<i32>} : memref<128x64xf32, #tpu.memory_space<vmem>>, vector<1x16xf32>,
      %swap3A_120 = vector.shape_cast %swap3A_119 : vector<1x16xf32> to vector<16xf32>
      %swap3A_121 = vector.shape_cast %broadcast_in_dim3A_116 : vector<16xf32> to vector<1x16xf32>
      tpu.vector_store %arg10[%swap3A_117, %swap3A_118], %swap3A_121 {strides = array<i32>} : memref<128x64xf32, #tpu.memory_space<vmem>>, vector<1x16xf32>,
      %broadcast_in_dim3A_122 = arith.constant 0.000000e+00 : f32
      %broadcast_in_dim3A_123 = vector.broadcast %broadcast_in_dim3A_122 : f32 to vector<16xf32>
      %swap3A_124 = arith.index_cast %scan3A_102 : i32 to index
      %swap3A_125 = arith.constant 48 : index
      %swap3A_126 = tpu.vector_load %arg10[%swap3A_124, %swap3A_125] {strides = array<i32>} : memref<128x64xf32, #tpu.memory_space<vmem>>, vector<1x16xf32>,
      %swap3A_127 = vector.shape_cast %swap3A_126 : vector<1x16xf32> to vector<16xf32>
      %swap3A_128 = vector.shape_cast %broadcast_in_dim3A_123 : vector<16xf32> to vector<1x16xf32>
      tpu.vector_store %arg10[%swap3A_124, %swap3A_125], %swap3A_128 {strides = array<i32>} : memref<128x64xf32, #tpu.memory_space<vmem>>, vector<1x16xf32>,
    }
    %scan3A_62 = arith.constant 128 : i32
    %multiple_of3A_63 = tpu.assume_multiple %mul3A_4, 8 : i32
    "tpu.region"() ({
      %run_scoped3A = tpu.sem_alloc : memref<!tpu.dma_semaphore, #tpu.memory_space<semaphore_mem>>
      %dma_start3A = arith.constant 0 : i32
      %dma_start3A_102 = tpu.memref_slice %arg9[%multiple_of3A_63, %dma_start3A] : memref<2048x64xf32, #tpu.memory_space<vmem_shared>> -> memref<128x64xf32, #tpu.memory_space<vmem_shared>>
      %dma_start3A_103 = arith.constant 0 : i32
      %dma_start3A_104 = tpu.memref_slice %arg9[%multiple_of3A_63, %dma_start3A_103] : memref<2048x64xf32, #tpu.memory_space<vmem_shared>> -> memref<128x64xf32, #tpu.memory_space<vmem_shared>>
      tpu.enqueue_dma source(%arg10 : memref<128x64xf32, #tpu.memory_space<vmem>>) target(%dma_start3A_104 : memref<128x64xf32, #tpu.memory_space<vmem_shared>>) target_semaphore(%run_scoped3A : memref<!tpu.dma_semaphore, #tpu.memory_space<semaphore_mem>>)
      %dma_wait3A_105 = arith.constant 0 : i32
      %dma_wait3A_106 = tpu.memref_slice %arg9[%multiple_of3A_63, %dma_wait3A_105] : memref<2048x64xf32, #tpu.memory_space<vmem_shared>> -> memref<128x64xf32, #tpu.memory_space<vmem_shared>>
      %dma_wait3A_107 = arith.constant 0 : i32
      %dma_wait3A_108 = tpu.memref_slice %arg9[%multiple_of3A_63, %dma_wait3A_107] : memref<2048x64xf32, #tpu.memory_space<vmem_shared>> -> memref<128x64xf32, #tpu.memory_space<vmem_shared>>
      tpu.wait_dma2 semaphore(%run_scoped3A : memref<!tpu.dma_semaphore, #tpu.memory_space<semaphore_mem>>) src(%arg10 : memref<128x64xf32, #tpu.memory_space<vmem>>) dst(%dma_wait3A_108 : memref<128x64xf32, #tpu.memory_space<vmem_shared>>)
      tpu.yield
    }) : () -> ()
    %scan3A_64 = arith.constant 0 : i32
    %scan3A_65 = arith.constant 0 : i32
    %scan3A_66 = arith.constant 51 : i32
    %scan3A_67 = arith.addi %scan3A_65, %scan3A_66 : i32
    %scan3A_68 = arith.constant 1 : i32
    scf.for %scan3A_102 = %scan3A_65 to %scan3A_67 step %scan3A_68  : i32 {
      %mul3A_103 = arith.constant 4 : i32
      %mul3A_104 = arith.muli %scan3A_102, %mul3A_103 : i32
      %add3A_105 = arith.constant 0 : i32
      %add3A_106 = arith.addi %mul3A_104, %add3A_105 : i32
      %sub3A = arith.constant 2 : i32
      %sub3A_107 = arith.subi %add3A_106, %sub3A : i32
      %ge3A = arith.constant 0 : i32
      %ge3A_108 = arith.cmpi sge, %sub3A_107, %ge3A : i32
      %lt3A = arith.constant 200 : i32
      %lt3A_109 = arith.cmpi slt, %sub3A_107, %lt3A : i32
      %and3A = arith.andi %ge3A_108, %lt3A_109 : i1
      %convert_element_type3A = arith.extui %and3A : i1 to i32
      %cond3A = arith.constant 0 : i32
      %cond3A_110 = arith.cmpi ne, %convert_element_type3A, %cond3A : i32
      scf.if %cond3A_110 {
        %mul3A_173 = arith.constant 128 : i32
        %mul3A_174 = arith.muli %sub3A_107, %mul3A_173 : i32
        %multiple_of3A_175 = tpu.assume_multiple %mul3A_174, 8 : i32
        %dma_wait3A_176 = tpu.memref_slice %arg7[%multiple_of3A_175] : memref<25600xi32, #tpu.memory_space<vmem>> -> memref<128xi32, #tpu.memory_space<vmem>>
        %dma_wait3A_177 = arith.constant 0 : i32
        %dma_wait3A_178 = arith.constant 0 : i32
        %dma_wait3A_179 = tpu.memref_slice %arg4[%dma_wait3A_177, %dma_wait3A_178] : memref<1000000x64xf32, #tpu.memory_space<hbm>> -> memref<1000000x64xf32, #tpu.memory_space<hbm>>
        tpu.wait_indirect_dma semaphore(%arg16 : memref<!tpu.dma_semaphore, #tpu.memory_space<semaphore_mem>>) src(%dma_wait3A_179 : memref<1000000x64xf32, #tpu.memory_space<hbm>>) dst(%arg12 : memref<128x64xf32, #tpu.memory_space<vmem>>)
        %dma_start3A = arith.constant 0 : i32
        %dma_start3A_180 = tpu.memref_slice %arg8[%sub3A_107, %dma_start3A] : memref<200x128xi32, #tpu.memory_space<vmem>> -> memref<1x128xi32, #tpu.memory_space<vmem>>
        %dma_start3A_181 = tpu.memref_squeeze %dma_start3A_180 : memref<1x128xi32, #tpu.memory_space<vmem>> -> memref<128xi32, #tpu.memory_space<vmem>>
        %dma_start3A_182 = arith.constant 0 : i32
        %dma_start3A_183 = arith.constant 0 : i32
        %dma_start3A_184 = tpu.memref_slice %arg9[%dma_start3A_182, %dma_start3A_183] : memref<2048x64xf32, #tpu.memory_space<vmem_shared>> -> memref<2048x64xf32, #tpu.memory_space<vmem_shared>>
        tpu.enqueue_indirect_dma source(%arg12 : memref<128x64xf32, #tpu.memory_space<vmem>>) target(%dma_start3A_184 : memref<2048x64xf32, #tpu.memory_space<vmem_shared>>) offsets(%dma_start3A_181 : memref<128xi32, #tpu.memory_space<vmem>>) semaphore(%arg20 : memref<!tpu.dma_semaphore, #tpu.memory_space<semaphore_mem>>) {add = true}
      } else {
      }
      %lt3A_111 = arith.constant 200 : i32
      %lt3A_112 = arith.cmpi slt, %add3A_106, %lt3A_111 : i32
      %convert_element_type3A_113 = arith.extui %lt3A_112 : i1 to i32
      %cond3A_114 = arith.constant 0 : i32
      %cond3A_115 = arith.cmpi ne, %convert_element_type3A_113, %cond3A_114 : i32
      scf.if %cond3A_115 {
        %ge3A_173 = arith.constant 4 : i32
        %ge3A_174 = arith.cmpi sge, %add3A_106, %ge3A_173 : i32
        %convert_element_type3A_175 = arith.extui %ge3A_174 : i1 to i32
        %cond3A_176 = arith.constant 0 : i32
        %cond3A_177 = arith.cmpi ne, %convert_element_type3A_175, %cond3A_176 : i32
        scf.if %cond3A_177 {
          %sub3A_184 = arith.constant 4 : i32
          %sub3A_185 = arith.subi %add3A_106, %sub3A_184 : i32
          %dma_wait3A_186 = arith.constant 0 : i32
          %dma_wait3A_187 = tpu.memref_slice %arg8[%sub3A_185, %dma_wait3A_186] : memref<200x128xi32, #tpu.memory_space<vmem>> -> memref<1x128xi32, #tpu.memory_space<vmem>>
          %dma_wait3A_188 = tpu.memref_squeeze %dma_wait3A_187 : memref<1x128xi32, #tpu.memory_space<vmem>> -> memref<128xi32, #tpu.memory_space<vmem>>
          %dma_wait3A_189 = arith.constant 0 : i32
          %dma_wait3A_190 = arith.constant 0 : i32
          %dma_wait3A_191 = tpu.memref_slice %arg9[%dma_wait3A_189, %dma_wait3A_190] : memref<2048x64xf32, #tpu.memory_space<vmem_shared>> -> memref<2048x64xf32, #tpu.memory_space<vmem_shared>>
          tpu.wait_indirect_dma semaphore(%arg18 : memref<!tpu.dma_semaphore, #tpu.memory_space<semaphore_mem>>) src(%arg10 : memref<128x64xf32, #tpu.memory_space<vmem>>) dst(%dma_wait3A_191 : memref<2048x64xf32, #tpu.memory_space<vmem_shared>>)
        } else {
        }
        %mul3A_178 = arith.constant 128 : i32
        %mul3A_179 = arith.muli %add3A_106, %mul3A_178 : i32
        %multiple_of3A_180 = tpu.assume_multiple %mul3A_179, 8 : i32
        %dma_start3A = tpu.memref_slice %arg7[%multiple_of3A_180] : memref<25600xi32, #tpu.memory_space<vmem>> -> memref<128xi32, #tpu.memory_space<vmem>>
        %dma_start3A_181 = arith.constant 0 : i32
        %dma_start3A_182 = arith.constant 0 : i32
        %dma_start3A_183 = tpu.memref_slice %arg4[%dma_start3A_181, %dma_start3A_182] : memref<1000000x64xf32, #tpu.memory_space<hbm>> -> memref<1000000x64xf32, #tpu.memory_space<hbm>>
        tpu.enqueue_indirect_dma source(%dma_start3A_183 : memref<1000000x64xf32, #tpu.memory_space<hbm>>) target(%arg10 : memref<128x64xf32, #tpu.memory_space<vmem>>) offsets(%dma_start3A : memref<128xi32, #tpu.memory_space<vmem>>) semaphore(%arg14 : memref<!tpu.dma_semaphore, #tpu.memory_space<semaphore_mem>>)
      } else {
      }
      %mul3A_116 = arith.constant 4 : i32
      %mul3A_117 = arith.muli %scan3A_102, %mul3A_116 : i32
      %add3A_118 = arith.constant 1 : i32
      %add3A_119 = arith.addi %mul3A_117, %add3A_118 : i32
      %sub3A_120 = arith.constant 2 : i32
      %sub3A_121 = arith.subi %add3A_119, %sub3A_120 : i32
      %ge3A_122 = arith.constant 0 : i32
      %ge3A_123 = arith.cmpi sge, %sub3A_121, %ge3A_122 : i32
      %lt3A_124 = arith.constant 200 : i32
      %lt3A_125 = arith.cmpi slt, %sub3A_121, %lt3A_124 : i32
      %and3A_126 = arith.andi %ge3A_123, %lt3A_125 : i1
      %convert_element_type3A_127 = arith.extui %and3A_126 : i1 to i32
      %cond3A_128 = arith.constant 0 : i32
      %cond3A_129 = arith.cmpi ne, %convert_element_type3A_127, %cond3A_128 : i32
      scf.if %cond3A_129 {
        %mul3A_173 = arith.constant 128 : i32
        %mul3A_174 = arith.muli %sub3A_121, %mul3A_173 : i32
        %multiple_of3A_175 = tpu.assume_multiple %mul3A_174, 8 : i32
        %dma_wait3A_176 = tpu.memref_slice %arg7[%multiple_of3A_175] : memref<25600xi32, #tpu.memory_space<vmem>> -> memref<128xi32, #tpu.memory_space<vmem>>
        %dma_wait3A_177 = arith.constant 0 : i32
        %dma_wait3A_178 = arith.constant 0 : i32
        %dma_wait3A_179 = tpu.memref_slice %arg4[%dma_wait3A_177, %dma_wait3A_178] : memref<1000000x64xf32, #tpu.memory_space<hbm>> -> memref<1000000x64xf32, #tpu.memory_space<hbm>>
        tpu.wait_indirect_dma semaphore(%arg17 : memref<!tpu.dma_semaphore, #tpu.memory_space<semaphore_mem>>) src(%dma_wait3A_179 : memref<1000000x64xf32, #tpu.memory_space<hbm>>) dst(%arg13 : memref<128x64xf32, #tpu.memory_space<vmem>>)
        %dma_start3A = arith.constant 0 : i32
        %dma_start3A_180 = tpu.memref_slice %arg8[%sub3A_121, %dma_start3A] : memref<200x128xi32, #tpu.memory_space<vmem>> -> memref<1x128xi32, #tpu.memory_space<vmem>>
        %dma_start3A_181 = tpu.memref_squeeze %dma_start3A_180 : memref<1x128xi32, #tpu.memory_space<vmem>> -> memref<128xi32, #tpu.memory_space<vmem>>
        %dma_start3A_182 = arith.constant 0 : i32
        %dma_start3A_183 = arith.constant 0 : i32
        %dma_start3A_184 = tpu.memref_slice %arg9[%dma_start3A_182, %dma_start3A_183] : memref<2048x64xf32, #tpu.memory_space<vmem_shared>> -> memref<2048x64xf32, #tpu.memory_space<vmem_shared>>
        tpu.enqueue_indirect_dma source(%arg13 : memref<128x64xf32, #tpu.memory_space<vmem>>) target(%dma_start3A_184 : memref<2048x64xf32, #tpu.memory_space<vmem_shared>>) offsets(%dma_start3A_181 : memref<128xi32, #tpu.memory_space<vmem>>) semaphore(%arg21 : memref<!tpu.dma_semaphore, #tpu.memory_space<semaphore_mem>>) {add = true}
      } else {
      }
      %lt3A_130 = arith.constant 200 : i32
      %lt3A_131 = arith.cmpi slt, %add3A_119, %lt3A_130 : i32
      %convert_element_type3A_132 = arith.extui %lt3A_131 : i1 to i32
      %cond3A_133 = arith.constant 0 : i32
      %cond3A_134 = arith.cmpi ne, %convert_element_type3A_132, %cond3A_133 : i32
      scf.if %cond3A_134 {
        %ge3A_173 = arith.constant 4 : i32
        %ge3A_174 = arith.cmpi sge, %add3A_119, %ge3A_173 : i32
        %convert_element_type3A_175 = arith.extui %ge3A_174 : i1 to i32
        %cond3A_176 = arith.constant 0 : i32
        %cond3A_177 = arith.cmpi ne, %convert_element_type3A_175, %cond3A_176 : i32
        scf.if %cond3A_177 {
          %sub3A_184 = arith.constant 4 : i32
          %sub3A_185 = arith.subi %add3A_119, %sub3A_184 : i32
          %dma_wait3A_186 = arith.constant 0 : i32
          %dma_wait3A_187 = tpu.memref_slice %arg8[%sub3A_185, %dma_wait3A_186] : memref<200x128xi32, #tpu.memory_space<vmem>> -> memref<1x128xi32, #tpu.memory_space<vmem>>
          %dma_wait3A_188 = tpu.memref_squeeze %dma_wait3A_187 : memref<1x128xi32, #tpu.memory_space<vmem>> -> memref<128xi32, #tpu.memory_space<vmem>>
          %dma_wait3A_189 = arith.constant 0 : i32
          %dma_wait3A_190 = arith.constant 0 : i32
          %dma_wait3A_191 = tpu.memref_slice %arg9[%dma_wait3A_189, %dma_wait3A_190] : memref<2048x64xf32, #tpu.memory_space<vmem_shared>> -> memref<2048x64xf32, #tpu.memory_space<vmem_shared>>
          tpu.wait_indirect_dma semaphore(%arg19 : memref<!tpu.dma_semaphore, #tpu.memory_space<semaphore_mem>>) src(%arg11 : memref<128x64xf32, #tpu.memory_space<vmem>>) dst(%dma_wait3A_191 : memref<2048x64xf32, #tpu.memory_space<vmem_shared>>)
        } else {
        }
        %mul3A_178 = arith.constant 128 : i32
        %mul3A_179 = arith.muli %add3A_119, %mul3A_178 : i32
        %multiple_of3A_180 = tpu.assume_multiple %mul3A_179, 8 : i32
        %dma_start3A = tpu.memref_slice %arg7[%multiple_of3A_180] : memref<25600xi32, #tpu.memory_space<vmem>> -> memref<128xi32, #tpu.memory_space<vmem>>
        %dma_start3A_181 = arith.constant 0 : i32
        %dma_start3A_182 = arith.constant 0 : i32
        %dma_start3A_183 = tpu.memref_slice %arg4[%dma_start3A_181, %dma_start3A_182] : memref<1000000x64xf32, #tpu.memory_space<hbm>> -> memref<1000000x64xf32, #tpu.memory_space<hbm>>
        tpu.enqueue_indirect_dma source(%dma_start3A_183 : memref<1000000x64xf32, #tpu.memory_space<hbm>>) target(%arg11 : memref<128x64xf32, #tpu.memory_space<vmem>>) offsets(%dma_start3A : memref<128xi32, #tpu.memory_space<vmem>>) semaphore(%arg15 : memref<!tpu.dma_semaphore, #tpu.memory_space<semaphore_mem>>)
      } else {
      }
      %mul3A_135 = arith.constant 4 : i32
      %mul3A_136 = arith.muli %scan3A_102, %mul3A_135 : i32
      %add3A_137 = arith.constant 2 : i32
      %add3A_138 = arith.addi %mul3A_136, %add3A_137 : i32
      %sub3A_139 = arith.constant 2 : i32
      %sub3A_140 = arith.subi %add3A_138, %sub3A_139 : i32
      %ge3A_141 = arith.constant 0 : i32
      %ge3A_142 = arith.cmpi sge, %sub3A_140, %ge3A_141 : i32
      %lt3A_143 = arith.constant 200 : i32
      %lt3A_144 = arith.cmpi slt, %sub3A_140, %lt3A_143 : i32
      %and3A_145 = arith.andi %ge3A_142, %lt3A_144 : i1
      %convert_element_type3A_146 = arith.extui %and3A_145 : i1 to i32
      %cond3A_147 = arith.constant 0 : i32
      %cond3A_148 = arith.cmpi ne, %convert_element_type3A_146, %cond3A_147 : i32
      scf.if %cond3A_148 {
        %mul3A_173 = arith.constant 128 : i32
        %mul3A_174 = arith.muli %sub3A_140, %mul3A_173 : i32
        %multiple_of3A_175 = tpu.assume_multiple %mul3A_174, 8 : i32
        %dma_wait3A_176 = tpu.memref_slice %arg7[%multiple_of3A_175] : memref<25600xi32, #tpu.memory_space<vmem>> -> memref<128xi32, #tpu.memory_space<vmem>>
        %dma_wait3A_177 = arith.constant 0 : i32
        %dma_wait3A_178 = arith.constant 0 : i32
        %dma_wait3A_179 = tpu.memref_slice %arg4[%dma_wait3A_177, %dma_wait3A_178] : memref<1000000x64xf32, #tpu.memory_space<hbm>> -> memref<1000000x64xf32, #tpu.memory_space<hbm>>
        tpu.wait_indirect_dma semaphore(%arg14 : memref<!tpu.dma_semaphore, #tpu.memory_space<semaphore_mem>>) src(%dma_wait3A_179 : memref<1000000x64xf32, #tpu.memory_space<hbm>>) dst(%arg10 : memref<128x64xf32, #tpu.memory_space<vmem>>)
        %dma_start3A = arith.constant 0 : i32
        %dma_start3A_180 = tpu.memref_slice %arg8[%sub3A_140, %dma_start3A] : memref<200x128xi32, #tpu.memory_space<vmem>> -> memref<1x128xi32, #tpu.memory_space<vmem>>
        %dma_start3A_181 = tpu.memref_squeeze %dma_start3A_180 : memref<1x128xi32, #tpu.memory_space<vmem>> -> memref<128xi32, #tpu.memory_space<vmem>>
        %dma_start3A_182 = arith.constant 0 : i32
        %dma_start3A_183 = arith.constant 0 : i32
        %dma_start3A_184 = tpu.memref_slice %arg9[%dma_start3A_182, %dma_start3A_183] : memref<2048x64xf32, #tpu.memory_space<vmem_shared>> -> memref<2048x64xf32, #tpu.memory_space<vmem_shared>>
        tpu.enqueue_indirect_dma source(%arg10 : memref<128x64xf32, #tpu.memory_space<vmem>>) target(%dma_start3A_184 : memref<2048x64xf32, #tpu.memory_space<vmem_shared>>) offsets(%dma_start3A_181 : memref<128xi32, #tpu.memory_space<vmem>>) semaphore(%arg18 : memref<!tpu.dma_semaphore, #tpu.memory_space<semaphore_mem>>) {add = true}
      } else {
      }
      %lt3A_149 = arith.constant 200 : i32
      %lt3A_150 = arith.cmpi slt, %add3A_138, %lt3A_149 : i32
      %convert_element_type3A_151 = arith.extui %lt3A_150 : i1 to i32
      %cond3A_152 = arith.constant 0 : i32
      %cond3A_153 = arith.cmpi ne, %convert_element_type3A_151, %cond3A_152 : i32
      scf.if %cond3A_153 {
        %ge3A_173 = arith.constant 4 : i32
        %ge3A_174 = arith.cmpi sge, %add3A_138, %ge3A_173 : i32
        %convert_element_type3A_175 = arith.extui %ge3A_174 : i1 to i32
        %cond3A_176 = arith.constant 0 : i32
        %cond3A_177 = arith.cmpi ne, %convert_element_type3A_175, %cond3A_176 : i32
        scf.if %cond3A_177 {
          %sub3A_184 = arith.constant 4 : i32
          %sub3A_185 = arith.subi %add3A_138, %sub3A_184 : i32
          %dma_wait3A_186 = arith.constant 0 : i32
          %dma_wait3A_187 = tpu.memref_slice %arg8[%sub3A_185, %dma_wait3A_186] : memref<200x128xi32, #tpu.memory_space<vmem>> -> memref<1x128xi32, #tpu.memory_space<vmem>>
          %dma_wait3A_188 = tpu.memref_squeeze %dma_wait3A_187 : memref<1x128xi32, #tpu.memory_space<vmem>> -> memref<128xi32, #tpu.memory_space<vmem>>
          %dma_wait3A_189 = arith.constant 0 : i32
          %dma_wait3A_190 = arith.constant 0 : i32
          %dma_wait3A_191 = tpu.memref_slice %arg9[%dma_wait3A_189, %dma_wait3A_190] : memref<2048x64xf32, #tpu.memory_space<vmem_shared>> -> memref<2048x64xf32, #tpu.memory_space<vmem_shared>>
          tpu.wait_indirect_dma semaphore(%arg20 : memref<!tpu.dma_semaphore, #tpu.memory_space<semaphore_mem>>) src(%arg12 : memref<128x64xf32, #tpu.memory_space<vmem>>) dst(%dma_wait3A_191 : memref<2048x64xf32, #tpu.memory_space<vmem_shared>>)
        } else {
        }
        %mul3A_178 = arith.constant 128 : i32
        %mul3A_179 = arith.muli %add3A_138, %mul3A_178 : i32
        %multiple_of3A_180 = tpu.assume_multiple %mul3A_179, 8 : i32
        %dma_start3A = tpu.memref_slice %arg7[%multiple_of3A_180] : memref<25600xi32, #tpu.memory_space<vmem>> -> memref<128xi32, #tpu.memory_space<vmem>>
        %dma_start3A_181 = arith.constant 0 : i32
        %dma_start3A_182 = arith.constant 0 : i32
        %dma_start3A_183 = tpu.memref_slice %arg4[%dma_start3A_181, %dma_start3A_182] : memref<1000000x64xf32, #tpu.memory_space<hbm>> -> memref<1000000x64xf32, #tpu.memory_space<hbm>>
        tpu.enqueue_indirect_dma source(%dma_start3A_183 : memref<1000000x64xf32, #tpu.memory_space<hbm>>) target(%arg12 : memref<128x64xf32, #tpu.memory_space<vmem>>) offsets(%dma_start3A : memref<128xi32, #tpu.memory_space<vmem>>) semaphore(%arg16 : memref<!tpu.dma_semaphore, #tpu.memory_space<semaphore_mem>>)
      } else {
      }
      %mul3A_154 = arith.constant 4 : i32
      %mul3A_155 = arith.muli %scan3A_102, %mul3A_154 : i32
      %add3A_156 = arith.constant 3 : i32
      %add3A_157 = arith.addi %mul3A_155, %add3A_156 : i32
      %sub3A_158 = arith.constant 2 : i32
      %sub3A_159 = arith.subi %add3A_157, %sub3A_158 : i32
      %ge3A_160 = arith.constant 0 : i32
      %ge3A_161 = arith.cmpi sge, %sub3A_159, %ge3A_160 : i32
      %lt3A_162 = arith.constant 200 : i32
      %lt3A_163 = arith.cmpi slt, %sub3A_159, %lt3A_162 : i32
      %and3A_164 = arith.andi %ge3A_161, %lt3A_163 : i1
      %convert_element_type3A_165 = arith.extui %and3A_164 : i1 to i32
      %cond3A_166 = arith.constant 0 : i32
      %cond3A_167 = arith.cmpi ne, %convert_element_type3A_165, %cond3A_166 : i32
      scf.if %cond3A_167 {
        %mul3A_173 = arith.constant 128 : i32
        %mul3A_174 = arith.muli %sub3A_159, %mul3A_173 : i32
        %multiple_of3A_175 = tpu.assume_multiple %mul3A_174, 8 : i32
        %dma_wait3A_176 = tpu.memref_slice %arg7[%multiple_of3A_175] : memref<25600xi32, #tpu.memory_space<vmem>> -> memref<128xi32, #tpu.memory_space<vmem>>
        %dma_wait3A_177 = arith.constant 0 : i32
        %dma_wait3A_178 = arith.constant 0 : i32
        %dma_wait3A_179 = tpu.memref_slice %arg4[%dma_wait3A_177, %dma_wait3A_178] : memref<1000000x64xf32, #tpu.memory_space<hbm>> -> memref<1000000x64xf32, #tpu.memory_space<hbm>>
        tpu.wait_indirect_dma semaphore(%arg15 : memref<!tpu.dma_semaphore, #tpu.memory_space<semaphore_mem>>) src(%dma_wait3A_179 : memref<1000000x64xf32, #tpu.memory_space<hbm>>) dst(%arg11 : memref<128x64xf32, #tpu.memory_space<vmem>>)
        %dma_start3A = arith.constant 0 : i32
        %dma_start3A_180 = tpu.memref_slice %arg8[%sub3A_159, %dma_start3A] : memref<200x128xi32, #tpu.memory_space<vmem>> -> memref<1x128xi32, #tpu.memory_space<vmem>>
        %dma_start3A_181 = tpu.memref_squeeze %dma_start3A_180 : memref<1x128xi32, #tpu.memory_space<vmem>> -> memref<128xi32, #tpu.memory_space<vmem>>
        %dma_start3A_182 = arith.constant 0 : i32
        %dma_start3A_183 = arith.constant 0 : i32
        %dma_start3A_184 = tpu.memref_slice %arg9[%dma_start3A_182, %dma_start3A_183] : memref<2048x64xf32, #tpu.memory_space<vmem_shared>> -> memref<2048x64xf32, #tpu.memory_space<vmem_shared>>
        tpu.enqueue_indirect_dma source(%arg11 : memref<128x64xf32, #tpu.memory_space<vmem>>) target(%dma_start3A_184 : memref<2048x64xf32, #tpu.memory_space<vmem_shared>>) offsets(%dma_start3A_181 : memref<128xi32, #tpu.memory_space<vmem>>) semaphore(%arg19 : memref<!tpu.dma_semaphore, #tpu.memory_space<semaphore_mem>>) {add = true}
      } else {
      }
      %lt3A_168 = arith.constant 200 : i32
      %lt3A_169 = arith.cmpi slt, %add3A_157, %lt3A_168 : i32
      %convert_element_type3A_170 = arith.extui %lt3A_169 : i1 to i32
      %cond3A_171 = arith.constant 0 : i32
      %cond3A_172 = arith.cmpi ne, %convert_element_type3A_170, %cond3A_171 : i32
      scf.if %cond3A_172 {
        %ge3A_173 = arith.constant 4 : i32
        %ge3A_174 = arith.cmpi sge, %add3A_157, %ge3A_173 : i32
        %convert_element_type3A_175 = arith.extui %ge3A_174 : i1 to i32
        %cond3A_176 = arith.constant 0 : i32
        %cond3A_177 = arith.cmpi ne, %convert_element_type3A_175, %cond3A_176 : i32
        scf.if %cond3A_177 {
          %sub3A_184 = arith.constant 4 : i32
          %sub3A_185 = arith.subi %add3A_157, %sub3A_184 : i32
          %dma_wait3A_186 = arith.constant 0 : i32
          %dma_wait3A_187 = tpu.memref_slice %arg8[%sub3A_185, %dma_wait3A_186] : memref<200x128xi32, #tpu.memory_space<vmem>> -> memref<1x128xi32, #tpu.memory_space<vmem>>
          %dma_wait3A_188 = tpu.memref_squeeze %dma_wait3A_187 : memref<1x128xi32, #tpu.memory_space<vmem>> -> memref<128xi32, #tpu.memory_space<vmem>>
          %dma_wait3A_189 = arith.constant 0 : i32
          %dma_wait3A_190 = arith.constant 0 : i32
          %dma_wait3A_191 = tpu.memref_slice %arg9[%dma_wait3A_189, %dma_wait3A_190] : memref<2048x64xf32, #tpu.memory_space<vmem_shared>> -> memref<2048x64xf32, #tpu.memory_space<vmem_shared>>
          tpu.wait_indirect_dma semaphore(%arg21 : memref<!tpu.dma_semaphore, #tpu.memory_space<semaphore_mem>>) src(%arg13 : memref<128x64xf32, #tpu.memory_space<vmem>>) dst(%dma_wait3A_191 : memref<2048x64xf32, #tpu.memory_space<vmem_shared>>)
        } else {
        }
        %mul3A_178 = arith.constant 128 : i32
        %mul3A_179 = arith.muli %add3A_157, %mul3A_178 : i32
        %multiple_of3A_180 = tpu.assume_multiple %mul3A_179, 8 : i32
        %dma_start3A = tpu.memref_slice %arg7[%multiple_of3A_180] : memref<25600xi32, #tpu.memory_space<vmem>> -> memref<128xi32, #tpu.memory_space<vmem>>
        %dma_start3A_181 = arith.constant 0 : i32
        %dma_start3A_182 = arith.constant 0 : i32
        %dma_start3A_183 = tpu.memref_slice %arg4[%dma_start3A_181, %dma_start3A_182] : memref<1000000x64xf32, #tpu.memory_space<hbm>> -> memref<1000000x64xf32, #tpu.memory_space<hbm>>
        tpu.enqueue_indirect_dma source(%dma_start3A_183 : memref<1000000x64xf32, #tpu.memory_space<hbm>>) target(%arg13 : memref<128x64xf32, #tpu.memory_space<vmem>>) offsets(%dma_start3A : memref<128xi32, #tpu.memory_space<vmem>>) semaphore(%arg17 : memref<!tpu.dma_semaphore, #tpu.memory_space<semaphore_mem>>)
      } else {
      }
    }
    %scan3A_69 = arith.constant 51 : i32
    %dma_wait3A_70 = arith.constant 196 : i32
    %dma_wait3A_71 = arith.constant 0 : i32
    %dma_wait3A_72 = tpu.memref_slice %arg8[%dma_wait3A_70, %dma_wait3A_71] : memref<200x128xi32, #tpu.memory_space<vmem>> -> memref<1x128xi32, #tpu.memory_space<vmem>>
    %dma_wait3A_73 = tpu.memref_squeeze %dma_wait3A_72 : memref<1x128xi32, #tpu.memory_space<vmem>> -> memref<128xi32, #tpu.memory_space<vmem>>
    %dma_wait3A_74 = arith.constant 0 : i32
    %dma_wait3A_75 = arith.constant 0 : i32
    %dma_wait3A_76 = tpu.memref_slice %arg9[%dma_wait3A_74, %dma_wait3A_75] : memref<2048x64xf32, #tpu.memory_space<vmem_shared>> -> memref<2048x64xf32, #tpu.memory_space<vmem_shared>>
    tpu.wait_indirect_dma semaphore(%arg18 : memref<!tpu.dma_semaphore, #tpu.memory_space<semaphore_mem>>) src(%arg10 : memref<128x64xf32, #tpu.memory_space<vmem>>) dst(%dma_wait3A_76 : memref<2048x64xf32, #tpu.memory_space<vmem_shared>>)
    %dma_wait3A_77 = arith.constant 197 : i32
    %dma_wait3A_78 = arith.constant 0 : i32
    %dma_wait3A_79 = tpu.memref_slice %arg8[%dma_wait3A_77, %dma_wait3A_78] : memref<200x128xi32, #tpu.memory_space<vmem>> -> memref<1x128xi32, #tpu.memory_space<vmem>>
    %dma_wait3A_80 = tpu.memref_squeeze %dma_wait3A_79 : memref<1x128xi32, #tpu.memory_space<vmem>> -> memref<128xi32, #tpu.memory_space<vmem>>
    %dma_wait3A_81 = arith.constant 0 : i32
    %dma_wait3A_82 = arith.constant 0 : i32
    %dma_wait3A_83 = tpu.memref_slice %arg9[%dma_wait3A_81, %dma_wait3A_82] : memref<2048x64xf32, #tpu.memory_space<vmem_shared>> -> memref<2048x64xf32, #tpu.memory_space<vmem_shared>>
    tpu.wait_indirect_dma semaphore(%arg19 : memref<!tpu.dma_semaphore, #tpu.memory_space<semaphore_mem>>) src(%arg11 : memref<128x64xf32, #tpu.memory_space<vmem>>) dst(%dma_wait3A_83 : memref<2048x64xf32, #tpu.memory_space<vmem_shared>>)
    %dma_wait3A_84 = arith.constant 198 : i32
    %dma_wait3A_85 = arith.constant 0 : i32
    %dma_wait3A_86 = tpu.memref_slice %arg8[%dma_wait3A_84, %dma_wait3A_85] : memref<200x128xi32, #tpu.memory_space<vmem>> -> memref<1x128xi32, #tpu.memory_space<vmem>>
    %dma_wait3A_87 = tpu.memref_squeeze %dma_wait3A_86 : memref<1x128xi32, #tpu.memory_space<vmem>> -> memref<128xi32, #tpu.memory_space<vmem>>
    %dma_wait3A_88 = arith.constant 0 : i32
    %dma_wait3A_89 = arith.constant 0 : i32
    %dma_wait3A_90 = tpu.memref_slice %arg9[%dma_wait3A_88, %dma_wait3A_89] : memref<2048x64xf32, #tpu.memory_space<vmem_shared>> -> memref<2048x64xf32, #tpu.memory_space<vmem_shared>>
    tpu.wait_indirect_dma semaphore(%arg20 : memref<!tpu.dma_semaphore, #tpu.memory_space<semaphore_mem>>) src(%arg12 : memref<128x64xf32, #tpu.memory_space<vmem>>) dst(%dma_wait3A_90 : memref<2048x64xf32, #tpu.memory_space<vmem_shared>>)
    %dma_wait3A_91 = arith.constant 199 : i32
    %dma_wait3A_92 = arith.constant 0 : i32
    %dma_wait3A_93 = tpu.memref_slice %arg8[%dma_wait3A_91, %dma_wait3A_92] : memref<200x128xi32, #tpu.memory_space<vmem>> -> memref<1x128xi32, #tpu.memory_space<vmem>>
    %dma_wait3A_94 = tpu.memref_squeeze %dma_wait3A_93 : memref<1x128xi32, #tpu.memory_space<vmem>> -> memref<128xi32, #tpu.memory_space<vmem>>
    %dma_wait3A_95 = arith.constant 0 : i32
    %dma_wait3A_96 = arith.constant 0 : i32
    %dma_wait3A_97 = tpu.memref_slice %arg9[%dma_wait3A_95, %dma_wait3A_96] : memref<2048x64xf32, #tpu.memory_space<vmem_shared>> -> memref<2048x64xf32, #tpu.memory_space<vmem_shared>>
    tpu.wait_indirect_dma semaphore(%arg21 : memref<!tpu.dma_semaphore, #tpu.memory_space<semaphore_mem>>) src(%arg13 : memref<128x64xf32, #tpu.memory_space<vmem>>) dst(%dma_wait3A_97 : memref<2048x64xf32, #tpu.memory_space<vmem_shared>>)
    %multiple_of3A_98 = tpu.assume_multiple %mul3A_4, 8 : i32
    %add3A_99 = arith.constant 4096 : i32
    %add3A_100 = arith.addi %add3A_99, %mul3A_2 : i32
    %multiple_of3A_101 = tpu.assume_multiple %add3A_100, 8 : i32
    "tpu.region"() ({
      %run_scoped3A = tpu.sem_alloc : memref<!tpu.dma_semaphore, #tpu.memory_space<semaphore_mem>>
      %dma_start3A = arith.constant 0 : i32
      %dma_start3A_102 = tpu.memref_slice %arg6[%multiple_of3A_101, %dma_start3A] : memref<8192x64xf32, #tpu.memory_space<hbm>> -> memref<128x64xf32, #tpu.memory_space<hbm>>
      %dma_start3A_103 = arith.constant 0 : i32
      %dma_start3A_104 = tpu.memref_slice %arg9[%multiple_of3A_98, %dma_start3A_103] : memref<2048x64xf32, #tpu.memory_space<vmem_shared>> -> memref<128x64xf32, #tpu.memory_space<vmem_shared>>
      tpu.enqueue_dma source(%dma_start3A_104 : memref<128x64xf32, #tpu.memory_space<vmem_shared>>) target(%dma_start3A_102 : memref<128x64xf32, #tpu.memory_space<hbm>>) target_semaphore(%run_scoped3A : memref<!tpu.dma_semaphore, #tpu.memory_space<semaphore_mem>>)
      %dma_wait3A_105 = arith.constant 0 : i32
      %dma_wait3A_106 = tpu.memref_slice %arg6[%multiple_of3A_101, %dma_wait3A_105] : memref<8192x64xf32, #tpu.memory_space<hbm>> -> memref<128x64xf32, #tpu.memory_space<hbm>>
      %dma_wait3A_107 = arith.constant 0 : i32
      %dma_wait3A_108 = tpu.memref_slice %arg9[%multiple_of3A_98, %dma_wait3A_107] : memref<2048x64xf32, #tpu.memory_space<vmem_shared>> -> memref<128x64xf32, #tpu.memory_space<vmem_shared>>
      tpu.wait_dma2 semaphore(%run_scoped3A : memref<!tpu.dma_semaphore, #tpu.memory_space<semaphore_mem>>) src(%dma_wait3A_108 : memref<128x64xf32, #tpu.memory_space<vmem_shared>>) dst(%dma_wait3A_106 : memref<128x64xf32, #tpu.memory_space<hbm>>)
      tpu.yield
    }) : () -> ()
    return
  }
}

module attributes {stable_mosaic.version = 14 : i64} {
  func.func @body(%arg0: i32, %arg1: memref<512x64xf32, #tpu.memory_space<vmem>>, %arg2: memref<512x64xf32, #tpu.memory_space<vmem>>, %arg3: memref<512x200xi32, #tpu.memory_space<vmem>>, %arg4: memref<512x200xi32, #tpu.memory_space<vmem>>, %arg5: memref<512x1xf32, #tpu.memory_space<vmem>>, %arg6: memref<512x1xf32, #tpu.memory_space<vmem>>, %arg7: memref<1x64xf32, #tpu.memory_space<vmem>>, %arg8: memref<256x256xf32, #tpu.memory_space<vmem>>, %arg9: memref<1x256xf32, #tpu.memory_space<vmem>>, %arg10: memref<2x256xf32, #tpu.memory_space<vmem>>, %arg11: memref<1x2xf32, #tpu.memory_space<vmem>>, %arg12: memref<512x2xf32, #tpu.memory_space<vmem>>, %arg13: memref<512x2xf32, #tpu.memory_space<vmem>>) attributes {dimension_semantics = [#tpu.dimension_semantics<arbitrary>], iteration_bounds = array<i64: 8>, scalar_prefetch = 0 : i64, scratch_operands = 0 : i64, tpu.core_type = #tpu.core_type<tc>, window_params = [{transform_indices = @transform_0, window_bounds = array<i64: 512, 64>}, {transform_indices = @transform_1, window_bounds = array<i64: 512, 64>}, {transform_indices = @transform_2, window_bounds = array<i64: 512, 200>}, {transform_indices = @transform_3, window_bounds = array<i64: 512, 200>}, {transform_indices = @transform_4, window_bounds = array<i64: 512, 1>}, {transform_indices = @transform_5, window_bounds = array<i64: 512, 1>}, {pipeline_mode = #tpu.pipeline_mode<synchronous>, transform_indices = @transform_6, window_bounds = array<i64: 1, 64>}, {pipeline_mode = #tpu.pipeline_mode<synchronous>, transform_indices = @transform_7, window_bounds = array<i64: 256, 256>}, {pipeline_mode = #tpu.pipeline_mode<synchronous>, transform_indices = @transform_8, window_bounds = array<i64: 1, 256>}, {pipeline_mode = #tpu.pipeline_mode<synchronous>, transform_indices = @transform_9, window_bounds = array<i64: 2, 256>}, {pipeline_mode = #tpu.pipeline_mode<synchronous>, transform_indices = @transform_10, window_bounds = array<i64: 1, 2>}, {transform_indices = @transform_11, window_bounds = array<i64: 512, 2>}, {transform_indices = @transform_12, window_bounds = array<i64: 512, 2>}]} {
    %get3A = arith.constant 0 : index
    %get3A_0 = arith.constant 0 : index
    %get3A_1 = vector.load %arg7[%get3A, %get3A_0] : memref<1x64xf32, #tpu.memory_space<vmem>>, vector<1x64xf32>
    %get3A_2 = arith.constant 0 : index
    %get3A_3 = arith.constant 0 : index
    %get3A_4 = vector.load %arg3[%get3A_2, %get3A_3] : memref<512x200xi32, #tpu.memory_space<vmem>>, vector<512x200xi32>
    %eq3A = arith.constant 1 : i32
    %eq3A_5 = vector.broadcast %eq3A : i32 to vector<512x200xi32>
    %eq3A_6 = arith.cmpi eq, %get3A_4, %eq3A_5 : vector<512x200xi32>
    %convert_element_type3A = arith.extui %eq3A_6 : vector<512x200xi1> to vector<512x200xi32>
    %convert_element_type3A_7 = arith.sitofp %convert_element_type3A : vector<512x200xi32> to vector<512x200xf32>
    %reduce_sum3A = arith.constant dense<0.000000e+00> : vector<512xf32>
    %reduce_sum3A_8 = vector.multi_reduction <add>, %convert_element_type3A_7, %reduce_sum3A [1] : vector<512x200xf32> to vector<512xf32>
    %broadcast_in_dim3A = vector.shape_cast %reduce_sum3A_8 : vector<512xf32> to vector<512x1xf32>
    %get3A_9 = arith.constant 0 : index
    %get3A_10 = arith.constant 0 : index
    %get3A_11 = vector.load %arg4[%get3A_9, %get3A_10] : memref<512x200xi32, #tpu.memory_space<vmem>>, vector<512x200xi32>
    %eq3A_12 = arith.constant 1 : i32
    %eq3A_13 = vector.broadcast %eq3A_12 : i32 to vector<512x200xi32>
    %eq3A_14 = arith.cmpi eq, %get3A_11, %eq3A_13 : vector<512x200xi32>
    %convert_element_type3A_15 = arith.extui %eq3A_14 : vector<512x200xi1> to vector<512x200xi32>
    %convert_element_type3A_16 = arith.sitofp %convert_element_type3A_15 : vector<512x200xi32> to vector<512x200xf32>
    %reduce_sum3A_17 = arith.constant dense<0.000000e+00> : vector<512xf32>
    %reduce_sum3A_18 = vector.multi_reduction <add>, %convert_element_type3A_16, %reduce_sum3A_17 [1] : vector<512x200xf32> to vector<512xf32>
    %broadcast_in_dim3A_19 = vector.shape_cast %reduce_sum3A_18 : vector<512xf32> to vector<512x1xf32>
    %get3A_20 = arith.constant 0 : index
    %get3A_21 = arith.constant 0 : index
    %get3A_22 = vector.load %arg1[%get3A_20, %get3A_21] : memref<512x64xf32, #tpu.memory_space<vmem>>, vector<512x64xf32>
    %mul3A = vector.broadcast %broadcast_in_dim3A : vector<512x1xf32> to vector<512x64xf32>
    %mul3A_23 = vector.broadcast %get3A_1 : vector<1x64xf32> to vector<512x64xf32>
    %mul3A_24 = arith.mulf %mul3A, %mul3A_23 : vector<512x64xf32>
    %sub3A = arith.subf %get3A_22, %mul3A_24 : vector<512x64xf32>
    %get3A_25 = arith.constant 0 : index
    %get3A_26 = arith.constant 0 : index
    %get3A_27 = vector.load %arg5[%get3A_25, %get3A_26] : memref<512x1xf32, #tpu.memory_space<vmem>>, vector<512x1xf32>
    %div3A = vector.broadcast %get3A_27 : vector<512x1xf32> to vector<512x64xf32>
    %div3A_28 = arith.divf %sub3A, %div3A : vector<512x64xf32>
    %get3A_29 = arith.constant 0 : index
    %get3A_30 = arith.constant 0 : index
    %get3A_31 = vector.load %arg2[%get3A_29, %get3A_30] : memref<512x64xf32, #tpu.memory_space<vmem>>, vector<512x64xf32>
    %mul3A_32 = vector.broadcast %broadcast_in_dim3A_19 : vector<512x1xf32> to vector<512x64xf32>
    %mul3A_33 = vector.broadcast %get3A_1 : vector<1x64xf32> to vector<512x64xf32>
    %mul3A_34 = arith.mulf %mul3A_32, %mul3A_33 : vector<512x64xf32>
    %sub3A_35 = arith.subf %get3A_31, %mul3A_34 : vector<512x64xf32>
    %get3A_36 = arith.constant 0 : index
    %get3A_37 = arith.constant 0 : index
    %get3A_38 = vector.load %arg6[%get3A_36, %get3A_37] : memref<512x1xf32, #tpu.memory_space<vmem>>, vector<512x1xf32>
    %div3A_39 = vector.broadcast %get3A_38 : vector<512x1xf32> to vector<512x64xf32>
    %div3A_40 = arith.divf %sub3A_35, %div3A_39 : vector<512x64xf32>
    %sub3A_41 = arith.subf %div3A_28, %div3A_40 : vector<512x64xf32>
    %abs3A = math.absf %sub3A_41 : vector<512x64xf32>
    %mul3A_42 = arith.mulf %div3A_28, %div3A_40 : vector<512x64xf32>
    %concatenate3A = tpu.concatenate %div3A_28, %div3A_40, %abs3A, %mul3A_42 in 1 : vector<512x64xf32>, vector<512x64xf32>, vector<512x64xf32>, vector<512x64xf32> -> vector<512x256xf32>
    %get3A_43 = arith.constant 0 : index
    %get3A_44 = arith.constant 0 : index
    %get3A_45 = vector.load %arg8[%get3A_43, %get3A_44] : memref<256x256xf32, #tpu.memory_space<vmem>>, vector<256x256xf32>
    %dot_general3A = arith.constant dense<0.000000e+00> : vector<512x256xf32>
    %dot_general3A_46 = tpu.matmul %concatenate3A, %get3A_45, %dot_general3A {dimension_numbers = #tpu.dot_dimension_numbers<[1], [1], [0], [0], [0, 0, 1, 0], [], []>, precision = #tpu.contract_precision<fp32>, transpose_lhs_hint = false} : vector<512x256xf32>, vector<256x256xf32>, vector<512x256xf32> -> vector<512x256xf32>
    %get3A_47 = arith.constant 0 : index
    %get3A_48 = arith.constant 0 : index
    %get3A_49 = vector.load %arg9[%get3A_47, %get3A_48] : memref<1x256xf32, #tpu.memory_space<vmem>>, vector<1x256xf32>
    %add3A = vector.broadcast %get3A_49 : vector<1x256xf32> to vector<512x256xf32>
    %add3A_50 = arith.addf %dot_general3A_46, %add3A : vector<512x256xf32>
    %max3A = arith.constant 0.000000e+00 : f32
    %max3A_51 = vector.broadcast %max3A : f32 to vector<512x256xf32>
    %max3A_52 = arith.maximumf %add3A_50, %max3A_51 : vector<512x256xf32>
    %get3A_53 = arith.constant 0 : index
    %get3A_54 = arith.constant 0 : index
    %get3A_55 = vector.load %arg10[%get3A_53, %get3A_54] : memref<2x256xf32, #tpu.memory_space<vmem>>, vector<2x256xf32>
    %dot_general3A_56 = arith.constant dense<0.000000e+00> : vector<512x2xf32>
    %dot_general3A_57 = tpu.matmul %max3A_52, %get3A_55, %dot_general3A_56 {dimension_numbers = #tpu.dot_dimension_numbers<[1], [1], [0], [0], [0, 0, 1, 0], [], []>, precision = #tpu.contract_precision<fp32>, transpose_lhs_hint = false} : vector<512x256xf32>, vector<2x256xf32>, vector<512x2xf32> -> vector<512x2xf32>
    %get3A_58 = arith.constant 0 : index
    %get3A_59 = arith.constant 0 : index
    %get3A_60 = vector.load %arg11[%get3A_58, %get3A_59] : memref<1x2xf32, #tpu.memory_space<vmem>>, vector<1x2xf32>
    %add3A_61 = vector.broadcast %get3A_60 : vector<1x2xf32> to vector<512x2xf32>
    %add3A_62 = arith.addf %dot_general3A_57, %add3A_61 : vector<512x2xf32>
    %reduce_max3A = arith.constant dense<0xFF800000> : vector<512xf32>
    %reduce_max3A_63 = vector.multi_reduction <maximumf>, %add3A_62, %reduce_max3A [1] : vector<512x2xf32> to vector<512xf32>
    %broadcast_in_dim3A_64 = vector.shape_cast %reduce_max3A_63 : vector<512xf32> to vector<512x1xf32>
    %sub3A_65 = vector.broadcast %broadcast_in_dim3A_64 : vector<512x1xf32> to vector<512x2xf32>
    %sub3A_66 = arith.subf %add3A_62, %sub3A_65 : vector<512x2xf32>
    %exp3A = math.exp %sub3A_66 : vector<512x2xf32>
    %reduce_sum3A_67 = arith.constant dense<0.000000e+00> : vector<512xf32>
    %reduce_sum3A_68 = vector.multi_reduction <add>, %exp3A, %reduce_sum3A_67 [1] : vector<512x2xf32> to vector<512xf32>
    %broadcast_in_dim3A_69 = vector.shape_cast %reduce_sum3A_68 : vector<512xf32> to vector<512x1xf32>
    %div3A_70 = vector.broadcast %broadcast_in_dim3A_69 : vector<512x1xf32> to vector<512x2xf32>
    %div3A_71 = arith.divf %exp3A, %div3A_70 : vector<512x2xf32>
    %swap3A = arith.constant 0 : index
    %swap3A_72 = arith.constant 0 : index
    %swap3A_73 = vector.load %arg12[%swap3A, %swap3A_72] : memref<512x2xf32, #tpu.memory_space<vmem>>, vector<512x2xf32>
    tpu.vector_store %arg12[%swap3A, %swap3A_72], %add3A_62 {strides = array<i32>} : memref<512x2xf32, #tpu.memory_space<vmem>>, vector<512x2xf32>,
    %swap3A_74 = arith.constant 0 : index
    %swap3A_75 = arith.constant 0 : index
    %swap3A_76 = vector.load %arg13[%swap3A_74, %swap3A_75] : memref<512x2xf32, #tpu.memory_space<vmem>>, vector<512x2xf32>
    tpu.vector_store %arg13[%swap3A_74, %swap3A_75], %div3A_71 {strides = array<i32>} : memref<512x2xf32, #tpu.memory_space<vmem>>, vector<512x2xf32>,
    return
  }
  func.func @transform_0(%arg0: i32) -> (i32, i32) {
    %c0_i32 = arith.constant 0 : i32
    %c0_i32_0 = arith.constant 0 : i32
    return %arg0, %c0_i32 : i32, i32
  }
  func.func @transform_1(%arg0: i32) -> (i32, i32) {
    %c0_i32 = arith.constant 0 : i32
    %c0_i32_0 = arith.constant 0 : i32
    return %arg0, %c0_i32 : i32, i32
  }
  func.func @transform_2(%arg0: i32) -> (i32, i32) {
    %c0_i32 = arith.constant 0 : i32
    %c0_i32_0 = arith.constant 0 : i32
    return %arg0, %c0_i32 : i32, i32
  }
  func.func @transform_3(%arg0: i32) -> (i32, i32) {
    %c0_i32 = arith.constant 0 : i32
    %c0_i32_0 = arith.constant 0 : i32
    return %arg0, %c0_i32 : i32, i32
  }
  func.func @transform_4(%arg0: i32) -> (i32, i32) {
    %c0_i32 = arith.constant 0 : i32
    %c0_i32_0 = arith.constant 0 : i32
    return %arg0, %c0_i32 : i32, i32
  }
  func.func @transform_5(%arg0: i32) -> (i32, i32) {
    %c0_i32 = arith.constant 0 : i32
    %c0_i32_0 = arith.constant 0 : i32
    return %arg0, %c0_i32 : i32, i32
  }
  func.func @transform_6(%arg0: i32) -> (i32, i32) {
    %c0_i32 = arith.constant 0 : i32
    %c0_i32_0 = arith.constant 0 : i32
    %c0_i32_1 = arith.constant 0 : i32
    return %c0_i32, %c0_i32_0 : i32, i32
  }
  func.func @transform_7(%arg0: i32) -> (i32, i32) {
    %c0_i32 = arith.constant 0 : i32
    %c0_i32_0 = arith.constant 0 : i32
    %c0_i32_1 = arith.constant 0 : i32
    return %c0_i32, %c0_i32_0 : i32, i32
  }
  func.func @transform_8(%arg0: i32) -> (i32, i32) {
    %c0_i32 = arith.constant 0 : i32
    %c0_i32_0 = arith.constant 0 : i32
    %c0_i32_1 = arith.constant 0 : i32
    return %c0_i32, %c0_i32_0 : i32, i32
  }
  func.func @transform_9(%arg0: i32) -> (i32, i32) {
    %c0_i32 = arith.constant 0 : i32
    %c0_i32_0 = arith.constant 0 : i32
    %c0_i32_1 = arith.constant 0 : i32
    return %c0_i32, %c0_i32_0 : i32, i32
  }
  func.func @transform_10(%arg0: i32) -> (i32, i32) {
    %c0_i32 = arith.constant 0 : i32
    %c0_i32_0 = arith.constant 0 : i32
    %c0_i32_1 = arith.constant 0 : i32
    return %c0_i32, %c0_i32_0 : i32, i32
  }
  func.func @transform_11(%arg0: i32) -> (i32, i32) {
    %c0_i32 = arith.constant 0 : i32
    %c0_i32_0 = arith.constant 0 : i32
    return %arg0, %c0_i32 : i32, i32
  }
  func.func @transform_12(%arg0: i32) -> (i32, i32) {
    %c0_i32 = arith.constant 0 : i32
    %c0_i32_0 = arith.constant 0 : i32
    return %arg0, %c0_i32 : i32, i32
  }
}

</mosaic_0001>

<sc_bundles>
// kernel: kernel.4.cloned.1.call-start
scs
__scs_entry_jumppad:
0x0: {  	(pc) =	sbr.rel $0x88, $3  }
0x1: {  	(tag) =	ssettag $0x0;
	lr =	simm.s32 $0x1  }
0x2: {  	[smem:$0x3F98] =	sst lr;
	_ =	strace $0xD0000000  }
0x3: {  	_ = 	snop  }
0x4: {  	_ = 	snop  }
0x5: {  	_ = 	snop  }
0x6: {  	_ = 	snop  }
0x7: {  	_ = 	snop  }
__scs_overlays_trampoline_lowered:
0x8: {  	[smem:$0x3FA7] =	sst s0  }
0x9: {  	[smem:$0x3FA8] =	sst s1  }
0xa: {  	[smem:$0x3FA9] =	sst s2  }
0xb: {  	[smem:$0x3FAA] =	sst s3  }
0xc: {  	[smem:$0x3FAB] =	sst s4  }
0xd: {  	[smem:$0x3FAC] =	sst s5  }
0xe: {  	[smem:$0x3FAD] =	sst s6  }
0xf: {  	[smem:$0x3FAE] =	sst s7  }
0x10: {  	[smem:$0x3FAF] =	sst s8  }
0x11: {  	[smem:$0x3FB0] =	sst s9;
	s0 =	simm.s32 @!p0 $0x0  }
0x12: {  	s1 =	sld [smem:$0x3F96];
	s0 =	simm.s32 @p0 $0x1  }
0x13: {  	[smem:$0x3FB1] =	sst s0;
	s0 =	simm.s32 @!p1 $0x0  }
0x14: {  	s2 =	sld [smem:$0x3F95];
	s0 =	simm.s32 @p1 $0x1  }
0x15: {  	[smem:$0x3FB2] =	sst s0;
	s0 =	simm.s32 @!p2 $0x0  }
0x16: {  	s3 =	sld [smem:$0x3FDB];
	s0 =	simm.s32 @p2 $0x1  }
0x17: {  	s4 =	simm.s32 $0x1BF5;
	[smem:$0x3FB4] =	sst s0  }
0x18: {  	s0 =	sld [smem:$0x3F97];
	_ =	swait.ge [sflag:s4], $0x0  }
0x19: {  	s7 =	sld [smem:$0x3F98]  }
0x1a: {  	s8 =	sadd.s32 $0xFFFFE003, lr  }
0x1b: {  	s9 =	sadd.s32 $0xFFFFFEF7, lr;
	s5 =	simm.s32 $0xFFFFFFFF;
	p2 =	slt.u32 s8, $0xFFFFF086  }
0x1c: {  	p1 =	slt.u32 s9, $0xF7A;
	s5 =	simm.s32 @!p2 $0x0  }
0x1d: {  	s5 =	simm.s32 @p1 $0x1;
	p0 =	seq.s32 s7, s2  }
0x1e: {  	s7 =	smul.u32 @!p0 $0xF7A, s2;
	p2 =	seq.s32 @!p0 s5, $0x0  }
0x1f: {  	s9 =	smul.u32 $0xF7A, s1;
	s8 =	simm.s32 @!p0 $0x1BF5;
	p2 =	por !p2, p0  }
0x20: {  	[sflag:s8] =	ssyncset.s32 @!p0 $0xFFFFF086;
	s6 =	sadd.s32 @!p0 s3, s7;
	s7 =	simm.s32 @!p0 $0x108  }
0x21: {  	s3 =	sadd.s32 s3, s9;
	s6 =	sadd.s32 @!p0 $0x88, s6;
	s7 =	simm.s32 @p2 $0x1082  }
0x22: {  	[simem:s7], [sflag:s8] =	dma.local @!p0 [hbm:s6], $0xF7A  }
0x23: {  	s9 =	sor.u32 $0xD0000000, s2;
	s6 =	simm.s32 $0x108;
	_ =	swait.ge @!p0 [sflag:s8], $0x0  }
0x24: {  	s3 =	sadd.s32 $0x88, s3;
	s6 =	simm.s32 @!p1 $0x1082;
	[sflag:s4] =	ssyncset.s32 $0xFFFFF086  }
0x25: {  	[simem:s6], [sflag:s4] =	dma.local [hbm:s3], $0xF7A  }
0x26: {  	[smem:$0x3F98] =	sst s1;
	(tag) =	ssettag s2;
	_ =	strace s9  }
0x27: {  	s1 =	sld [smem:$0x3FA8]  }
0x28: {  	s2 =	sld [smem:$0x3FA9]  }
0x29: {  	s4 =	sld [smem:$0x3FAB]  }
0x2a: {  	p0 =	seq.s32 s5, $0x0;
	s5 =	sld [smem:$0x3FAC]  }
0x2b: {  	s6 =	sld [smem:$0x3FAD]  }
0x2c: {  	s7 =	sld [smem:$0x3FAE]  }
0x2d: {  	s3 =	simm.s32 $0x108;
	s8 =	sld [smem:$0x3FAF]  }
0x2e: {  	s3 =	simm.s32 @!p0 $0x1082;
	s9 =	sld [smem:$0x3FB0]  }
0x2f: {  	lr =	sadd.s32 s0, s3;
	s0 =	sld [smem:$0x3FA7]  }
0x30: {  	s3 =	sld [smem:$0x3FAA]  }
0x31: {  	[smem:$0x3FB3] =	sst s10  }
0x32: {  	s10 =	sld [smem:$0x3FB1];
	_ =	sdelay $0x3  }
0x33: {  	p0 =	seq.s32 s10, $0x1;
	s10 =	sld [smem:$0x3FB3];
	_ =	sdelay $0x3  }
0x34: {  	[smem:$0x3FB3] =	sst s10  }
0x35: {  	s10 =	sld [smem:$0x3FB2];
	_ =	sdelay $0x3  }
0x36: {  	p1 =	seq.s32 s10, $0x1;
	s10 =	sld [smem:$0x3FB3];
	_ =	sdelay $0x3  }
0x37: {  	[smem:$0x3FB3] =	sst s10  }
0x38: {  	s10 =	sld [smem:$0x3FB4]  }
0x39: {  	_ = 	snop;
	(pc) =	sbr.ind lr, $3  }
0x3a: {  	_ = 	snop  }
0x3b: {  	_ = 	snop  }
0x3c: {  	p2 =	seq.s32 s10, $0x1;
	s10 =	sld [smem:$0x3FB3]  }
0x3d: {  	_ =	shalt  }
0x3e: {  	_ =	shalt  }
0x3f: {  	_ =	shalt  }
0x40: {  	_ =	shalt  }
0x41: {  	_ =	shalt  }
0x42: {  	_ =	shalt  }
0x43: {  	_ =	shalt  }
0x44: {  	_ =	shalt  }
0x45: {  	_ =	shalt  }
0x46: {  	_ =	shalt  }
0x47: {  	_ =	shalt  }
0x48: {  	_ =	shalt  }
0x49: {  	_ =	shalt  }
0x4a: {  	_ =	shalt  }
0x4b: {  	_ =	shalt  }
0x4c: {  	_ =	shalt  }
0x4d: {  	_ =	shalt  }
0x4e: {  	_ =	shalt  }
0x4f: {  	_ =	shalt  }
0x50: {  	_ =	shalt  }
0x51: {  	_ =	shalt  }
0x52: {  	_ =	shalt  }
0x53: {  	_ =	shalt  }
0x54: {  	_ =	shalt  }
0x55: {  	_ =	shalt  }
0x56: {  	_ =	shalt  }
0x57: {  	_ =	shalt  }
0x58: {  	_ =	shalt  }
0x59: {  	_ =	shalt  }
0x5a: {  	_ =	shalt  }
0x5b: {  	_ =	shalt  }
0x5c: {  	_ =	shalt  }
0x5d: {  	_ =	shalt  }
0x5e: {  	_ =	shalt  }
0x5f: {  	_ =	shalt  }
0x60: {  	_ =	shalt  }
0x61: {  	_ =	shalt  }
0x62: {  	_ =	shalt  }
0x63: {  	_ =	shalt  }
0x64: {  	_ =	shalt  }
0x65: {  	_ =	shalt  }
0x66: {  	_ =	shalt  }
0x67: {  	_ =	shalt  }
0x68: {  	_ =	shalt  }
0x69: {  	_ =	shalt  }
0x6a: {  	_ =	shalt  }
0x6b: {  	_ =	shalt  }
0x6c: {  	_ =	shalt  }
0x6d: {  	_ =	shalt  }
0x6e: {  	_ =	shalt  }
0x6f: {  	_ =	shalt  }
0x70: {  	_ =	shalt  }
0x71: {  	_ =	shalt  }
0x72: {  	_ =	shalt  }
0x73: {  	_ =	shalt  }
0x74: {  	_ =	shalt  }
0x75: {  	_ =	shalt  }
0x76: {  	_ =	shalt  }
0x77: {  	_ =	shalt  }
0x78: {  	_ =	shalt  }
0x79: {  	_ =	shalt  }
0x7a: {  	_ =	shalt  }
0x7b: {  	_ =	shalt  }
0x7c: {  	_ =	shalt  }
0x7d: {  	_ =	shalt  }
0x7e: {  	_ =	shalt  }
0x7f: {  	_ =	shalt  }
0x80: {  	_ =	shalt  }
0x81: {  	_ =	shalt  }
0x82: {  	_ =	shalt  }
0x83: {  	_ =	shalt  }
0x84: {  	_ =	shalt  }
0x85: {  	_ =	shalt  }
0x86: {  	_ =	shalt  }
0x87: {  	_ =	shalt  }
.Lfunc_end0:
.L_simem_size_0:
called_computation_lowered:
.L_overlay_start_0:
0x88: {  	s2 =	sld [smem:$0x3FD9]  }
0x89: {  	s3 =	sld [smem:$0x3FFE];
	_ =	sdelay $0x1  }
0x8a: {  	s1 =	srdreg.scid  }
0x8b: {  	s0 =	sand.u32 $0x1, s1  }
0x8c: {  	s16 =	sshll.u32 s0, $0xA;
	s2 =	sadd.s32 s3, s2  }
0x8d: {  	s2 =	sadd.s32 s2, s16  }
0x8e: {  	[smem:$0x3FBF] =	sst s2  }
0x8f: {  	_ = 	snop  }
0x90: {  	(tm) =	ssettm $0x1  }
0x91: {  	s17 =	sld [smem:$0x3FFB];
	_ =	sdelay $0x3  }
0x92: {  	_ =	strace s17  }
0x93: {  	s2 =	sld [smem:$0x3FFC];
	_ =	sdelay $0x3  }
0x94: {  	_ =	strace s2  }
0x95: {  	s2 =	sld [smem:$0x3FFD];
	_ =	sdelay $0x3  }
0x96: {  	_ =	strace s2  }
0x97: {  	_ =	strace $0x8FFFFFFF  }
0x98: {  	s18 =	sld [smem:$0x3FDB];
	_ =	sdelay $0x1  }
0x99: {  	s19 =	simm.s32 $_scs_section_size  }
0x9a: {  	s4 =	simm.s32 $_size__tile_overlayer_lowered;
	s5 =	simm.s32 $_tile_overlayer_lowered  }
0x9b: {  	s22 =	simm.s32 $0x1BFF;
	s21 =	sshll.u32 s5, $0x1;
	s2 =	sadd.s32 s19, s18  }
0x9c: {  	s6 =	simm.s32 $0x0;
	s20 =	sshll.u32 s4, $0x1;
	s4 =	sadd.s32 s21, s2  }
0x9d: {  	[timem:s6], [sflag:s22] =	dma.local [hbm:s4], s20  }
0x9e: {  	_ =	swait.ge [sflag:s22], s20  }
0x9f: {  	s3 =	ssub.s32 $0x0, s20;
	[sflag:s22] =	ssyncset.done $0x0  }
0xa0: {  	[sflag:s22] =	ssyncadd.s32 s3;
	_ =	sdelay $0x1  }
0xa1: {  	s23 =	simm.s32 $0x1B8B  }
0xa2: {  	_ =	swait.ge [sflag:s23], $0x1  }
0xa3: {  	[sflag:s23] =	ssyncset.done $0x0  }
0xa4: {  	s25 =	simm.s32 $0x1B8E;
	s24 =	sld [smem:$0x3FFE];
	[sflag:s23] =	ssyncadd.s32 $0xFFFFFFFF  }
0xa5: {  	s26 =	simm.s32 $execute0_lowered;
	[smem:$0x3FD2] =	sst s25  }
0xa6: {  	s4 =	sshll.u32 s26, $0x1;
	_ =	strace $0x80000046;
	[dreg:$0x1] =	wrdreg $0xFFFFFFFF  }
0xa7: {  	s28 =	simm.s32 $_size_execute0_lowered;
	s2 =	sadd.s32 s2, s4;
	[dreg:$0x0] =	wrdreg $0x0  }
0xa8: {  	s4 =	sshll.u32 s28, $0x1;
	[dreg:$0x2] =	wrdreg s2  }
0xa9: {  	[dreg:$0x3] =	wrdreg s4  }
0xaa: {  	[dreg:$0x4] =	wrdreg $0xC0  }
0xab: {  	_ =	task [dreg:s6], $0x5FFFF  }
0xac: {  	[dreg:$0x1] =	wrdreg $0xFFFFFFFF  }
0xad: {  	[dreg:$0x0] =	wrdreg $0x60  }
0xae: {  	[dreg:$0x2] =	wrdreg s24  }
0xaf: {  	[dreg:$0x3] =	wrdreg $0xC8000  }
0xb0: {  	[dreg:$0x4] =	wrdreg $0x9  }
0xb1: {  	_ =	task.clear_ibuf [dreg:s6], $0x5FFFF;
	_ =	strace $0x90000046  }
0xb2: {  	s29 =	simm.s32 $0x9;
	_ =	strace $0x80000048  }
0xb3: {  	_ =	swait.ge [sflag:s29], $0x1  }
0xb4: {  	[sflag:s29] =	ssyncadd.s32 $0xFFFFFFFF  }
0xb5: {  	_ =	strace $0x90000048  }
0xb6: {  	_ =	sfence  }
0xb7: {  	s30 =	sld [smem:$0x0];
	_ =	sdelay $0x2  }
0xb8: {  	s31 =	sshll.u32 s1, $0xD;
	s1 =	sshrl.u32 s1, $0x2  }
0xb9: {  	s3 =	sand.u32 $0x4000, s31;
	s1 =	sadd.s32 s1, s30  }
0xba: {  	s0 =	sor.u32 s3, s0;
	s1 =	sshll.u32 s1, $0x11  }
0xbb: {  	s0 =	sor.u32 s1, s0  }
0xbc: {  	s0 =	sadd.s32 $0x8F2B, s0  }
0xbd: {  	[sflag:s0] =	ssyncadd.remote.s32 $0x1  }
0xbe: {  	_ =	sfence.sel $0xFFFF  }
0xbf: {  	[dreg:$0x0] =	wrdreg $0xFFFFFFFF;
	(pc) =	sbr.abs _section_cstart, $3  }
0xc0: {  	[dreg:$0x1] =	wrdreg $0xFFFFFFFF  }
0xc1: {  	_ =	task.clear_ibuf [dreg:s6], $0x2FFFF;
	_ =	strace $0x9FFFFFFF  }
0xc2: {  	(tm) =	ssettm $0x7FFFFFFF  }
0xc3: {  	_ =	shalt  }
tec
execute0_lowered:
.L_overlay_start_1:
0x0: {  	(tag) =	ssettag $0x1  }
0x1: {  	s0 =	rddreg [dreg:$0x0];
	s1 =	srdreg.scid  }
0x2: {  	s7 =	stileid.u32;
	s2 =	rddreg [dreg:$0x1]  }
0x3: {  	s4 =	simm.s32 $0x0;
	s12 =	simm.s32 $0x6400;
	s13 =	simm.s32 $0x9  }
0x4: {  	s14 =	simm.s32 $0xE800;
	s15 =	simm.s32 $0x80;
	s16 =	simm.s32 $0x10800  }
0x5: {  	s17 =	simm.s32 $0x1;
	s18 =	simm.s32 $0x100;
	s19 =	simm.s32 $0x12800  }
0x6: {  	s20 =	simm.s32 $0x2;
	s21 =	simm.s32 $0x6480;
	s22 =	simm.s32 $0x180  }
0x7: {  	s28 =	simm.s32 $0x5;
	s29 =	simm.s32 $0x6;
	s30 =	simm.s32 $0x7  }
0x8: {  	s31 =	simm.s32 $0x8;
	s1 =	sand.u32 $0x1, s1;
	s3 =	sshll.u32 s7, $0x1  }
0x9: {  	[smem:$0x7FF] =	sst s4;
	s4 =	sadd.s32 $0xF45200, s0;
	s6 =	sadd.s32 $0x2000, s0  }
0xa: {  	s26 =	sshll.u32 s7, $0x7;
	s8 =	sshll.u32 s7, $0xD;
	s3 =	sor.u32 s1, s3  }
0xb: {  	_ =	strace $0x80000047;
	s1 =	ssub.s32 $0x2, s1;
	[dreg:$0x3] =	wrdreg s6  }
0xc: {  	s8 =	sadd.s32 s8, s2;
	s23 =	smul.u32 $0xC80, s3;
	s24 =	sshrl.u32 s1, $0x1  }
.Ltmp0:
0xd: {  	s3 =	sshll.u32 s3, $0xA;
	s1 =	ssub.s32 s1, s24;
	(pc) =	sbr.rel .LBB2_1-.Ltmp0, $4  }
0xe: {  	s24 =	simm.s32 $0x3;
	s5 =	sadd.s32 s23, s0;
	s0 =	sadd.s32 s3, s0  }
0xf: {  	s11 =	smax.u32 s1, $0x1;
	s23 =	simm.s32 $0x14800;
	s25 =	sadd.s32 $0x173F400, s5  }
0x10: {  	s1 =	simm.s32 $0x0;
	s7 =	sadd.s32 $0x1758400, s0;
	s9 =	sadd.s32 $0x1706400, s5  }
0x11: {  	v1 =	vimm.f32 $0.0e+00;
	v0 =	vmov s26;
	s10 =	sadd.s32 $0x1760400, s0;
	[dreg:$0x4] =	wrdreg s25;
	s25 =	simm.s32 $0x4  }
.LBB2_13:
0x12: {  	_ =	swait.ge [sflag:s25], $0x2000  }
0x13: {  	[sflag:s25] =	ssyncset.done $0x0  }
0x14: {  	s5 =	simm.s32 $0xC780;
	[sflag:s25] =	ssyncadd.s32 $0xFFFFE000  }
0x15: {  	[spmem:s2] =	stream.indirect.scatter.add.f32 [tilespmem:s23], [sflag:$0x8], $0x40, s5, s15, $0xb8;
	[tilespmem:$0x16800] =	vst v63  }
.LBB2_15:
0x16: {  	_ =	swait.ge [sflag:s28], $0x2000  }
0x17: {  	[sflag:s28] =	ssyncset.done $0x0  }
0x18: {  	[sflag:s28] =	ssyncadd.s32 $0xFFFFE000  }
0x19: {  	_ =	swait.ge [sflag:s29], $0x2000  }
0x1a: {  	[sflag:s29] =	ssyncset.done $0x0  }
0x1b: {  	[sflag:s29] =	ssyncadd.s32 $0xFFFFE000  }
0x1c: {  	_ =	swait.ge [sflag:s30], $0x2000  }
0x1d: {  	[sflag:s30] =	ssyncset.done $0x0  }
0x1e: {  	[sflag:s30] =	ssyncadd.s32 $0xFFFFE000  }
0x1f: {  	s1 =	sadd.s32 $0x1, s1;
	_ =	swait.ge [sflag:s31], $0x2000  }
0x20: {  	p0 =	sne.s32 s1, s11;
	[sflag:s31] =	ssyncset.done $0x0  }
.Ltmp1:
0x21: {  	[sflag:s31] =	ssyncadd.s32 $0xFFFFE000;
	(pc) =	sbr.rel @!p0 .LBB2_16-.Ltmp1, $4  }
0x22: {  	[hbm:s10], [sflag:s3] =	dma.local [spmem:s0], $0x400  }
0x23: {  	_ =	swait.ge [sflag:s13], $0x400  }
0x24: {  	[sflag:s13] =	ssyncset.done $0x0  }
0x25: {  	[sflag:s13] =	ssyncadd.s32 $0xFFFFFC00  }
.LBB2_1:
0x26: {  	s0 =	simm.s32 $0x0;
	s3 =	rddreg [dreg:$0x3]  }
0x27: {  	[tilespmem:s12], [sflag:$0x9] =	stream.linear.gather [hbm4b:s3+s0], $0x6400, $0x38;
	[tilespmem:$0x16800] =	vst v63  }
0x28: {  	_ =	swait.ge [sflag:s13], $0x6400  }
0x29: {  	[sflag:s13] =	ssyncset.done $0x0  }
0x2a: {  	s0 =	simm.s32 $0x0;
	[sflag:s13] =	ssyncadd.s32 $0xFFFF9C00  }
0x2b: {  	v4 =	vld [tilespmem:s0+$0x6400]  }
0x2c: {  	v6 =	vld [tilespmem:s0+$0x6410]  }
0x2d: {  	v5 =	vld [tilespmem:s0+$0x6420]  }
0x2e: {  	v3 =	vld [tilespmem:s0+$0x6430]  }
0x2f: {  	v2 =	vld [tilespmem:s0+$0x6440]  }
0x30: {  	v7 =	vadd.s32 v0, v4;
	v4 =	vld [tilespmem:s0+$0x6450]  }
0x31: {  	s3 =	simm.s32 $0x200;
	[tilespmem:s0+$0x6400] =	vst v7;
	v7 =	vadd.s32 v0, v6;
	v6 =	vld [tilespmem:s0+$0x6460]  }
.LBB2_2:
0x32: {  	s5 =	sshra.s32 s3, $0x2;
	p0 =	sne.s32 s3, $0x18E00;
	[tilespmem:s0+$0x6410] =	vst v7;
	v5 =	vadd.s32 v0, v5;
	v7 =	vld [tilespmem:s0+$0x6470]  }
0x33: {  	v8 =	vld [tilespmem:s5+$0x6400];
	[tilespmem:s0+$0x6420] =	vst v5;
	v3 =	vadd.s32 v0, v3  }
0x34: {  	v9 =	vld [tilespmem:s5+$0x6410];
	[tilespmem:s0+$0x6430] =	vst v3;
	v2 =	vadd.s32 v0, v2  }
.Ltmp2:
0x35: {  	v5 =	vld [tilespmem:s5+$0x6420];
	[tilespmem:s0+$0x6440] =	vst v2;
	v2 =	vadd.s32 v0, v4;
	(pc) =	sbr.rel @p0 .LBB2_2-.Ltmp2, $4  }
0x36: {  	v3 =	vld [tilespmem:s5+$0x6430];
	[tilespmem:s0+$0x6450] =	vst v2;
	v4 =	vadd.s32 v0, v6  }
0x37: {  	v2 =	vld [tilespmem:s5+$0x6440];
	[tilespmem:s0+$0x6460] =	vst v4;
	v6 =	vadd.s32 v0, v7  }
0x38: {  	v7 =	vadd.s32 v0, v8;
	v4 =	vld [tilespmem:s5+$0x6450];
	[tilespmem:s0+$0x6470] =	vst v6;
	s0 =	smov.u32 s5  }
0x39: {  	s3 =	sadd.s32 $0x200, s3;
	[tilespmem:s0+$0x6400] =	vst v7;
	v7 =	vadd.s32 v0, v9;
	v6 =	vld [tilespmem:s0+$0x6460]  }
0x3a: {  	[tilespmem:s0+$0x6410] =	vst v7;
	v5 =	vadd.s32 v0, v5;
	v63 =	vld [tilespmem:s0+$0x6470]  }
0x3b: {  	[tilespmem:s0+$0x6420] =	vst v5;
	v3 =	vadd.s32 v0, v3  }
0x3c: {  	[tilespmem:s0+$0x6430] =	vst v3;
	v2 =	vadd.s32 v0, v2  }
0x3d: {  	[tilespmem:s0+$0x6440] =	vst v2;
	v2 =	vadd.s32 v0, v4  }
0x3e: {  	[tilespmem:s0+$0x6450] =	vst v2;
	v2 =	vadd.s32 v0, v6  }
0x3f: {  	[tilespmem:s0+$0x6460] =	vst v2;
	v2 =	vadd.s32 v0, v63  }
0x40: {  	s26 =	simm.s32 $0x0;
	s3 =	rddreg [dreg:$0x4];
	[tilespmem:s0+$0x6470] =	vst v2  }
0x41: {  	[tilespmem:s26], [sflag:$0x9] =	stream.linear.gather [hbm4b:s3+s26], $0x6400, $0x38;
	[tilespmem:$0x16800] =	vst v63  }
0x42: {  	_ =	swait.ge [sflag:s13], $0x6400  }
0x43: {  	[sflag:s13] =	ssyncset.done $0x0  }
0x44: {  	s0 =	simm.s32 $0x0;
	s3 =	simm.s32 $0x100;
	[sflag:s13] =	ssyncadd.s32 $0xFFFF9C00  }
.LBB2_4:
0x45: {  	p0 =	sne.s32 s3, $0x7F00;
	[tilespmem:s0+$0xE830] =	vst v1;
	s5 =	smov.u32 s3;
	s3 =	sadd.s32 $0x100, s3  }
.Ltmp3:
0x46: {  	[tilespmem:s0+$0xE820] =	vst v1;
	(pc) =	sbr.rel @p0 .LBB2_4-.Ltmp3, $3  }
0x47: {  	[tilespmem:s0+$0xE800] =	vst v1  }
0x48: {  	[tilespmem:s0+$0xE810] =	vst v1;
	_ =	sdelay $0x1  }
0x49: {  	s0 =	sshra.s32 s5, $0x2  }
0x4a: {  	[tilespmem:s0+$0xE830] =	vst v1  }
0x4b: {  	[tilespmem:s0+$0xE820] =	vst v1  }
0x4c: {  	[tilespmem:s0+$0xE800] =	vst v1  }
0x4d: {  	[tilespmem:s0+$0xE810] =	vst v1  }
0x4e: {  	[spmem:s8] =	stream.linear.scatter [tilespmem:s14], [sflag:$0x9], $0x2000, $0x38;
	[tilespmem:$0x16800] =	vst v63  }
0x4f: {  	_ =	swait.ge [sflag:s13], $0x2000  }
0x50: {  	[sflag:s13] =	ssyncset.done $0x0  }
0x51: {  	s0 =	simm.s32 $0x0;
	[sflag:s13] =	ssyncadd.s32 $0xFFFFE000  }
0x52: {  	[tilespmem:s14], [sflag:$0x1] =	stream.indirect.gather [hbm4b:s4+s15], $0x40, s0, s15, $0xb8;
	[tilespmem:$0x16800] =	vst v63  }
0x53: {  	_ = 	snop  }
0x54: {  	[tilespmem:s16], [sflag:$0x2] =	stream.indirect.gather [hbm4b:s4+s15], $0x40, s15, s15, $0xb8;
	[tilespmem:$0x16800] =	vst v63  }
0x55: {  	_ =	swait.ge [sflag:s17], $0x2000  }
0x56: {  	[sflag:s17] =	ssyncset.done $0x0  }
0x57: {  	[sflag:s17] =	ssyncadd.s32 $0xFFFFE000  }
0x58: {  	[spmem:s2] =	stream.indirect.scatter.add.f32 [tilespmem:s14], [sflag:$0x5], $0x40, s12, s15, $0xb8;
	[tilespmem:$0x16800] =	vst v63  }
0x59: {  	_ = 	snop  }
0x5a: {  	[tilespmem:s19], [sflag:$0x3] =	stream.indirect.gather [hbm4b:s4+s15], $0x40, s18, s15, $0xb8;
	[tilespmem:$0x16800] =	vst v63  }
0x5b: {  	_ =	swait.ge [sflag:s20], $0x2000  }
0x5c: {  	[sflag:s20] =	ssyncset.done $0x0  }
0x5d: {  	[sflag:s20] =	ssyncadd.s32 $0xFFFFE000  }
0x5e: {  	[spmem:s2] =	stream.indirect.scatter.add.f32 [tilespmem:s16], [sflag:$0x6], $0x40, s21, s15, $0xb8;
	[tilespmem:$0x16800] =	vst v63  }
0x5f: {  	_ = 	snop  }
0x60: {  	[tilespmem:s23], [sflag:$0x4] =	stream.indirect.gather [hbm4b:s4+s15], $0x40, s22, s15, $0xb8;
	[tilespmem:$0x16800] =	vst v63  }
.LBB2_6:
0x61: {  	p0 =	sne.s32 s0, $0x18800  }
.Ltmp4:
0x62: {  	_ = 	snop;
	(pc) =	sbr.rel @!p0 .LBB2_7-.Ltmp4, $4  }
0x63: {  	_ =	swait.ge [sflag:s24], $0x2000  }
0x64: {  	s3 =	sshra.s32 s0, $0x2;
	[sflag:s24] =	ssyncset.done $0x0  }
0x65: {  	s5 =	sadd.s32 $0x6500, s3;
	[sflag:s24] =	ssyncadd.s32 $0xFFFFE000  }
0x66: {  	[spmem:s2] =	stream.indirect.scatter.add.f32 [tilespmem:s19], [sflag:$0x7], $0x40, s5, s15, $0xb8;
	[tilespmem:$0x16800] =	vst v63  }
0x67: {  	_ =	swait.ge [sflag:s28], $0x2000  }
0x68: {  	[sflag:s28] =	ssyncset.done $0x0  }
0x69: {  	s5 =	sadd.s32 $0x200, s3;
	[sflag:s28] =	ssyncadd.s32 $0xFFFFE000  }
0x6a: {  	[tilespmem:s14], [sflag:$0x1] =	stream.indirect.gather [hbm4b:s4+s15], $0x40, s5, s15, $0xb8;
	[tilespmem:$0x16800] =	vst v63  }
0x6b: {  	_ =	swait.ge [sflag:s25], $0x2000  }
0x6c: {  	[sflag:s25] =	ssyncset.done $0x0  }
0x6d: {  	s6 =	sadd.s32 $0x6580, s3;
	[sflag:s25] =	ssyncadd.s32 $0xFFFFE000  }
0x6e: {  	[spmem:s2] =	stream.indirect.scatter.add.f32 [tilespmem:s23], [sflag:$0x8], $0x40, s6, s15, $0xb8;
	[tilespmem:$0x16800] =	vst v63  }
0x6f: {  	_ =	swait.ge [sflag:s29], $0x2000  }
0x70: {  	[sflag:s29] =	ssyncset.done $0x0  }
0x71: {  	s26 =	sadd.s32 $0x280, s3;
	[sflag:s29] =	ssyncadd.s32 $0xFFFFE000  }
0x72: {  	[tilespmem:s16], [sflag:$0x2] =	stream.indirect.gather [hbm4b:s4+s15], $0x40, s26, s15, $0xb8;
	[tilespmem:$0x16800] =	vst v63  }
0x73: {  	_ =	swait.ge [sflag:s17], $0x2000  }
0x74: {  	[sflag:s17] =	ssyncset.done $0x0  }
0x75: {  	s6 =	sadd.s32 $0x6600, s3;
	[sflag:s17] =	ssyncadd.s32 $0xFFFFE000  }
0x76: {  	[spmem:s2] =	stream.indirect.scatter.add.f32 [tilespmem:s14], [sflag:$0x5], $0x40, s6, s15, $0xb8;
	[tilespmem:$0x16800] =	vst v63  }
0x77: {  	_ =	swait.ge [sflag:s30], $0x2000  }
0x78: {  	[sflag:s30] =	ssyncset.done $0x0  }
0x79: {  	s26 =	sadd.s32 $0x300, s3;
	[sflag:s30] =	ssyncadd.s32 $0xFFFFE000  }
0x7a: {  	[tilespmem:s19], [sflag:$0x3] =	stream.indirect.gather [hbm4b:s4+s15], $0x40, s26, s15, $0xb8;
	[tilespmem:$0x16800] =	vst v63  }
0x7b: {  	_ =	swait.ge [sflag:s20], $0x2000  }
0x7c: {  	s0 =	sadd.s32 $0x800, s0;
	[sflag:s20] =	ssyncset.done $0x0  }
0x7d: {  	p0 =	sne.s32 s0, $0x19000;
	s6 =	sadd.s32 $0x6680, s3;
	[sflag:s20] =	ssyncadd.s32 $0xFFFFE000  }
0x7e: {  	[spmem:s2] =	stream.indirect.scatter.add.f32 [tilespmem:s16], [sflag:$0x6], $0x40, s6, s15, $0xb8;
	[tilespmem:$0x16800] =	vst v63  }
.Ltmp5:
0x7f: {  	_ = 	snop;
	(pc) =	sbr.rel @p0 .LBB2_6-.Ltmp5, $4  }
.Ltmp6:
0x80: {  	_ =	swait.ge [sflag:s31], $0x2000;
	(pc) =	sbr.rel @!p0 .LBB2_9-.Ltmp6, $4  }
0x81: {  	[sflag:s31] =	ssyncset.done $0x0  }
0x82: {  	s26 =	sadd.s32 $0x380, s3;
	[sflag:s31] =	ssyncadd.s32 $0xFFFFE000  }
0x83: {  	[tilespmem:s23], [sflag:$0x4] =	stream.indirect.gather [hbm4b:s4+s15], $0x40, s26, s15, $0xb8;
	[tilespmem:$0x16800] =	vst v63  }
0x84: {  	_ = 	snop  }
.LBB2_7:
0x85: {  	_ =	swait.ge [sflag:s25], $0x2000  }
0x86: {  	[sflag:s25] =	ssyncset.done $0x0  }
0x87: {  	s0 =	simm.s32 $0xC780;
	[sflag:s25] =	ssyncadd.s32 $0xFFFFE000  }
0x88: {  	[spmem:s2] =	stream.indirect.scatter.add.f32 [tilespmem:s23], [sflag:$0x8], $0x40, s0, s15, $0xb8;
	[tilespmem:$0x16800] =	vst v63  }
.LBB2_9:
0x89: {  	_ =	swait.ge [sflag:s28], $0x2000  }
0x8a: {  	[sflag:s28] =	ssyncset.done $0x0  }
0x8b: {  	[sflag:s28] =	ssyncadd.s32 $0xFFFFE000  }
0x8c: {  	_ =	swait.ge [sflag:s29], $0x2000  }
0x8d: {  	[sflag:s29] =	ssyncset.done $0x0  }
0x8e: {  	[sflag:s29] =	ssyncadd.s32 $0xFFFFE000  }
0x8f: {  	_ =	swait.ge [sflag:s30], $0x2000  }
0x90: {  	[sflag:s30] =	ssyncset.done $0x0  }
0x91: {  	[sflag:s30] =	ssyncadd.s32 $0xFFFFE000  }
0x92: {  	s0 =	stileid.u32;
	_ =	swait.ge [sflag:s31], $0x2000  }
0x93: {  	s0 =	sshll.u32 s0, $0x6;
	[sflag:s31] =	ssyncset.done $0x0  }
0x94: {  	s3 =	sor.u32 $0x1C09, s0;
	s0 =	sshrl.u32 s8, $0x3;
	[sflag:s31] =	ssyncadd.s32 $0xFFFFE000  }
0x95: {  	[hbm:s7], [sflag:s3] =	dma.local [spmem:s0], $0x400  }
0x96: {  	_ =	swait.ge [sflag:s13], $0x400  }
0x97: {  	[sflag:s13] =	ssyncset.done $0x0  }
0x98: {  	s5 =	simm.s32 $0x0;
	[sflag:s13] =	ssyncadd.s32 $0xFFFFFC00  }
0x99: {  	[tilespmem:s5], [sflag:$0x9] =	stream.linear.gather [hbm4b:s9+s5], $0x6400, $0x38;
	[tilespmem:$0x16800] =	vst v63  }
0x9a: {  	_ =	swait.ge [sflag:s13], $0x6400  }
0x9b: {  	[sflag:s13] =	ssyncset.done $0x0  }
0x9c: {  	s26 =	simm.s32 $0x100;
	s5 =	simm.s32 $0x0;
	[sflag:s13] =	ssyncadd.s32 $0xFFFF9C00  }
.LBB2_10:
0x9d: {  	p0 =	sne.s32 s26, $0x7F00;
	[tilespmem:s5+$0xE830] =	vst v1;
	s6 =	smov.u32 s26;
	s26 =	sadd.s32 $0x100, s26  }
.Ltmp7:
0x9e: {  	[tilespmem:s5+$0xE820] =	vst v1;
	(pc) =	sbr.rel @p0 .LBB2_10-.Ltmp7, $3  }
0x9f: {  	[tilespmem:s5+$0xE800] =	vst v1  }
0xa0: {  	[tilespmem:s5+$0xE810] =	vst v1;
	_ =	sdelay $0x1  }
0xa1: {  	s5 =	sshra.s32 s6, $0x2  }
0xa2: {  	[tilespmem:s5+$0xE830] =	vst v1  }
0xa3: {  	[tilespmem:s5+$0xE820] =	vst v1  }
0xa4: {  	[tilespmem:s5+$0xE800] =	vst v1  }
0xa5: {  	[tilespmem:s5+$0xE810] =	vst v1  }
0xa6: {  	[spmem:s8] =	stream.linear.scatter [tilespmem:s14], [sflag:$0x9], $0x2000, $0x38;
	[tilespmem:$0x16800] =	vst v63  }
0xa7: {  	_ =	swait.ge [sflag:s13], $0x2000  }
0xa8: {  	[sflag:s13] =	ssyncset.done $0x0  }
0xa9: {  	s26 =	simm.s32 $0x0;
	[sflag:s13] =	ssyncadd.s32 $0xFFFFE000  }
0xaa: {  	[tilespmem:s14], [sflag:$0x1] =	stream.indirect.gather [hbm4b:s4+s15], $0x40, s26, s15, $0xb8;
	[tilespmem:$0x16800] =	vst v63  }
0xab: {  	_ = 	snop  }
0xac: {  	[tilespmem:s16], [sflag:$0x2] =	stream.indirect.gather [hbm4b:s4+s15], $0x40, s15, s15, $0xb8;
	[tilespmem:$0x16800] =	vst v63  }
0xad: {  	_ =	swait.ge [sflag:s17], $0x2000  }
0xae: {  	[sflag:s17] =	ssyncset.done $0x0  }
0xaf: {  	[sflag:s17] =	ssyncadd.s32 $0xFFFFE000  }
0xb0: {  	[spmem:s2] =	stream.indirect.scatter.add.f32 [tilespmem:s14], [sflag:$0x5], $0x40, s12, s15, $0xb8;
	[tilespmem:$0x16800] =	vst v63  }
0xb1: {  	_ = 	snop  }
0xb2: {  	[tilespmem:s19], [sflag:$0x3] =	stream.indirect.gather [hbm4b:s4+s15], $0x40, s18, s15, $0xb8;
	[tilespmem:$0x16800] =	vst v63  }
0xb3: {  	_ =	swait.ge [sflag:s20], $0x2000  }
0xb4: {  	[sflag:s20] =	ssyncset.done $0x0  }
0xb5: {  	[sflag:s20] =	ssyncadd.s32 $0xFFFFE000  }
0xb6: {  	[spmem:s2] =	stream.indirect.scatter.add.f32 [tilespmem:s16], [sflag:$0x6], $0x40, s21, s15, $0xb8;
	[tilespmem:$0x16800] =	vst v63  }
0xb7: {  	_ = 	snop  }
0xb8: {  	[tilespmem:s23], [sflag:$0x4] =	stream.indirect.gather [hbm4b:s4+s15], $0x40, s22, s15, $0xb8;
	[tilespmem:$0x16800] =	vst v63  }
.LBB2_12:
0xb9: {  	p0 =	sne.s32 s26, $0x18800  }
.Ltmp8:
0xba: {  	_ = 	snop;
	(pc) =	sbr.rel @!p0 .LBB2_13-.Ltmp8, $4  }
0xbb: {  	_ =	swait.ge [sflag:s24], $0x2000  }
0xbc: {  	s5 =	sshra.s32 s26, $0x2;
	[sflag:s24] =	ssyncset.done $0x0  }
0xbd: {  	s6 =	sadd.s32 $0x6500, s5;
	[sflag:s24] =	ssyncadd.s32 $0xFFFFE000  }
0xbe: {  	[spmem:s2] =	stream.indirect.scatter.add.f32 [tilespmem:s19], [sflag:$0x7], $0x40, s6, s15, $0xb8;
	[tilespmem:$0x16800] =	vst v63  }
0xbf: {  	_ =	swait.ge [sflag:s28], $0x2000  }
0xc0: {  	[sflag:s28] =	ssyncset.done $0x0  }
0xc1: {  	s6 =	sadd.s32 $0x200, s5;
	[sflag:s28] =	ssyncadd.s32 $0xFFFFE000  }
0xc2: {  	[tilespmem:s14], [sflag:$0x1] =	stream.indirect.gather [hbm4b:s4+s15], $0x40, s6, s15, $0xb8;
	[tilespmem:$0x16800] =	vst v63  }
0xc3: {  	_ =	swait.ge [sflag:s25], $0x2000  }
0xc4: {  	[sflag:s25] =	ssyncset.done $0x0  }
0xc5: {  	s6 =	sadd.s32 $0x6580, s5;
	[sflag:s25] =	ssyncadd.s32 $0xFFFFE000  }
0xc6: {  	[spmem:s2] =	stream.indirect.scatter.add.f32 [tilespmem:s23], [sflag:$0x8], $0x40, s6, s15, $0xb8;
	[tilespmem:$0x16800] =	vst v63  }
0xc7: {  	_ =	swait.ge [sflag:s29], $0x2000  }
0xc8: {  	[sflag:s29] =	ssyncset.done $0x0  }
0xc9: {  	s6 =	sadd.s32 $0x280, s5;
	[sflag:s29] =	ssyncadd.s32 $0xFFFFE000  }
0xca: {  	[tilespmem:s16], [sflag:$0x2] =	stream.indirect.gather [hbm4b:s4+s15], $0x40, s6, s15, $0xb8;
	[tilespmem:$0x16800] =	vst v63  }
0xcb: {  	_ =	swait.ge [sflag:s17], $0x2000  }
0xcc: {  	[sflag:s17] =	ssyncset.done $0x0  }
0xcd: {  	s6 =	sadd.s32 $0x6600, s5;
	[sflag:s17] =	ssyncadd.s32 $0xFFFFE000  }
0xce: {  	[spmem:s2] =	stream.indirect.scatter.add.f32 [tilespmem:s14], [sflag:$0x5], $0x40, s6, s15, $0xb8;
	[tilespmem:$0x16800] =	vst v63  }
0xcf: {  	_ =	swait.ge [sflag:s30], $0x2000  }
0xd0: {  	[sflag:s30] =	ssyncset.done $0x0  }
0xd1: {  	s6 =	sadd.s32 $0x300, s5;
	[sflag:s30] =	ssyncadd.s32 $0xFFFFE000  }
0xd2: {  	[tilespmem:s19], [sflag:$0x3] =	stream.indirect.gather [hbm4b:s4+s15], $0x40, s6, s15, $0xb8;
	[tilespmem:$0x16800] =	vst v63  }
0xd3: {  	_ =	swait.ge [sflag:s20], $0x2000  }
0xd4: {  	s26 =	sadd.s32 $0x800, s26;
	[sflag:s20] =	ssyncset.done $0x0  }
0xd5: {  	p0 =	sne.s32 s26, $0x19000;
	s6 =	sadd.s32 $0x6680, s5;
	[sflag:s20] =	ssyncadd.s32 $0xFFFFE000  }
0xd6: {  	[spmem:s2] =	stream.indirect.scatter.add.f32 [tilespmem:s16], [sflag:$0x6], $0x40, s6, s15, $0xb8;
	[tilespmem:$0x16800] =	vst v63  }
.Ltmp9:
0xd7: {  	_ = 	snop;
	(pc) =	sbr.rel @p0 .LBB2_12-.Ltmp9, $4  }
.Ltmp10:
0xd8: {  	_ =	swait.ge [sflag:s31], $0x2000;
	(pc) =	sbr.rel @!p0 .LBB2_15-.Ltmp10, $4  }
0xd9: {  	[sflag:s31] =	ssyncset.done $0x0  }
0xda: {  	s6 =	sadd.s32 $0x380, s5;
	[sflag:s31] =	ssyncadd.s32 $0xFFFFE000  }
0xdb: {  	[tilespmem:s23], [sflag:$0x4] =	stream.indirect.gather [hbm4b:s4+s15], $0x40, s6, s15, $0xb8;
	[tilespmem:$0x16800] =	vst v63  }
0xdc: {  	_ = 	snop  }
.LBB2_16:
0xdd: {  	_ =	sfence.sel $0x180000  }
0xde: {  	[bflag:$0x0] =	sbarrier.arrive $0xFFFF  }
0xdf: {  	_ =	strace $0x90000047  }
0xe0: {  	s0 =	stileid.u32;
	[bflag:$0x2] =	sbarrier.arrive $0xFFFF  }
0xe1: {  	p0 =	sne.s32 s0, $0x0;
	s0 =	rddreg [dreg:$0x2]  }
0xe2: {  	s0 =	sadd.s32 @!p0 $0x100000, s0  }
0xe3: {  	[sflag:s0] =	ssyncadd.tile.s32 @!p0 $0x1;
	_ =	shalt  }
.Lfunc_end2:
_tile_overlayer_lowered:
.L_overlay_start_2:
0xe4: {  	(tag) =	ssettag $0x2  }
0xe5: {  	s0 =	rddreg [dreg:$0x0];
	s2 =	stileid.u32  }
0xe6: {  	s1 =	rddreg [dreg:$0x1];
	p0 =	sne.s32 s2, $0x0  }
0xe7: {  	s3 =	rddreg [dreg:$0x2];
	[bflag:$0x3] =	sbarrier.arrive $0xFFFF;
	s2 =	simm.s32 @!p0 $0x1C09  }
0xe8: {  	[timem:s3], [sflag:s2] =	dma.local @!p0 [hbm:s0], s1  }
0xe9: {  	s0 =	simm.s32 @!p0 $0x9  }
0xea: {  	_ =	swait.ge @!p0 [sflag:s0], s1  }
0xeb: {  	s1 =	ssub.s32 @!p0 $0x0, s1;
	[sflag:s0] =	ssyncset.done @!p0 $0x0  }
0xec: {  	[sflag:s0] =	ssyncadd.s32 @!p0 s1  }
0xed: {  	[bflag:$0x3] =	sbarrier.arrive $0xFFFF  }
0xee: {  	_ =	shalt  }

</sc_bundles>
